<compile_context>
chip_gen: v7x
topology: tpu7x:2x2x1
jax: 0.10.2.dev20260603
libtpu: 0.0.44.dev20260713+nightly
codegen_flags: <defaults>
</compile_context>

<pallas_src>
import functools

import jax
import jax.numpy as jnp
from jax import lax
from jax.experimental import pallas as pl
from jax.experimental.pallas import tpu as pltpu
from jax.experimental.pallas import tpu_sc as plsc

D = 64
DP = 128
NW = 32
NBUF = 4


@jax.jit
def _lookup(idx1d, tpad):
    B = idx1d.shape[0]
    b_per_w = B // NW
    n_b = 1024 // NW
    CH = 200
    n_grp = n_b // NBUF
    assert b_per_w == n_b * CH and n_b % NBUF == 0

    mesh = plsc.VectorSubcoreMesh(core_axis_name="c", subcore_axis_name="s")

    @functools.partial(
        pl.kernel,
        out_type=jax.ShapeDtypeStruct((1024, 200, DP), jnp.float32),
        mesh=mesh,
        scratch_types=[
            pltpu.VMEM((b_per_w,), jnp.int32),
            pltpu.VMEM((NBUF, CH, DP), jnp.float32),
            pltpu.SemaphoreType.DMA((NBUF,)),
            pltpu.SemaphoreType.DMA((NBUF,)),
        ],
    )
    def k(idx_hbm, table_hbm, out_hbm, idx_v, rows_v, gsem, ssem):
        wid = lax.axis_index("s") * 2 + lax.axis_index("c")
        base_b = wid * n_b
        pltpu.sync_copy(idx_hbm.at[pl.ds(wid * b_per_w, b_per_w)], idx_v)

        def gather(t, b):
            return pltpu.make_async_copy(
                table_hbm.at[idx_v.at[pl.ds(t * CH, CH)]], rows_v.at[b],
                gsem.at[b])

        def store(t, b):
            return pltpu.make_async_copy(
                rows_v.at[b], out_hbm.at[base_b + t], ssem.at[b])

        for b in range(NBUF):
            gather(b, b).start()

        def group(g, carry):
            for b in range(NBUF):
                t = g * NBUF + b
                gather(t, b).wait()
                store(t, b).start()

                @pl.when(g + 1 < n_grp)
                def _():
                    store(t, b).wait()
                    gather(t + NBUF, b).start()
            return carry

        lax.fori_loop(0, n_grp, group, 0)

        for b in range(NBUF):
            t = (n_grp - 1) * NBUF + b
            store(t, b).wait()

    return k(idx1d, tpad)


def kernel(inputs, emb_edges):
    idx1d = inputs.reshape(-1)
    tpad = jnp.pad(emb_edges, ((0, 0), (0, DP - D)))
    outp = _lookup(idx1d, tpad)
    return outp[:, :, :D]

# --- scband reference (transcript-rebuilt; emitter-appended) ---
"""Pipeline reference for scband-naive-embedding-73710228734672 (READ-ONLY COPY).

The authoritative reference and input builder live on the scoring server;
editing this copy changes nothing except your own understanding.
"""

import jax, jax.numpy as jnp
import numpy as np

NUM_EDGES = 1000000
EDGE_DIM = 64


def setup_inputs(seed: int = 0) -> dict:
    key = jax.random.key(seed)
    k1, k2 = jax.random.split(key)
    inputs = jax.random.randint(k1, (1024, 200), 0, NUM_EDGES + 1, dtype=jnp.int64 if jax.config.jax_enable_x64 else jnp.int32).astype(jnp.int32)
    emb_edges = jax.random.normal(k2, (NUM_EDGES + 1, EDGE_DIM), dtype=jnp.float32)
    # padding_idx=0: torch initializes the padding row to zeros
    emb_edges = emb_edges.at[0].set(0.0)
    return {"inputs": inputs, "emb_edges": emb_edges}


def reference(inputs, emb_edges):
    # nn.Embedding forward: simple row gather from the table
    embeddings = jnp.take(emb_edges, inputs, axis=0)
    return embeddings

if __name__ == "__main__":
    import jax
    _d = setup_inputs()
    print(jax.jit(kernel)(*tuple(_d.values())))

</pallas_src>

<mosaic_0001>
#map = affine_map<(d0, d1) -> (0)>
#map1 = affine_map<(d0, d1) -> (0, 0)>
#map2 = affine_map<(d0, d1) -> (0, 0, 0)>
module attributes {stable_mosaic.version = 14 : i64} {
  func.func @k(%arg0: i32, %arg1: i32, %arg2: memref<204800xi32, #tpu.memory_space<hbm>>, %arg3: memref<1000001x128xf32, #tpu.memory_space<hbm>>, %arg4: memref<1024x200x128xf32, #tpu.memory_space<hbm>>, %arg5: memref<6400xi32, #tpu.memory_space<vmem>>, %arg6: memref<4x200x128xf32, #tpu.memory_space<vmem>>, %arg7: memref<4x!tpu.dma_semaphore, #tpu.memory_space<semaphore_mem>>, %arg8: memref<4x!tpu.dma_semaphore, #tpu.memory_space<semaphore_mem>>) attributes {dimension_semantics = [#tpu.dimension_semantics<core_parallel>, #tpu.dimension_semantics<subcore_parallel>], iteration_bounds = array<i64: 2, 16>, scalar_prefetch = 0 : i64, scratch_operands = 4 : i64, tpu.core_type = #tpu.core_type<sc_vector_subcore>, window_params = [{transform_indices = #map}, {transform_indices = #map1}, {transform_indices = #map2}]} {
    %mul3A = arith.constant 2 : i32
    %mul3A_0 = arith.muli %arg1, %mul3A : i32
    %add3A = arith.addi %mul3A_0, %arg0 : i32
    %mul3A_1 = arith.constant 32 : i32
    %mul3A_2 = arith.muli %add3A, %mul3A_1 : i32
    %mul3A_3 = arith.constant 6400 : i32
    %mul3A_4 = arith.muli %add3A, %mul3A_3 : i32
    "tpu.region"() ({
      %run_scoped3A = tpu.sem_alloc : memref<!tpu.dma_semaphore, #tpu.memory_space<semaphore_mem>>
      %dma_start3A_148 = tpu.memref_slice %arg2[%mul3A_4] : memref<204800xi32, #tpu.memory_space<hbm>> -> memref<6400xi32, #tpu.memory_space<hbm>>
      %dma_start3A_149 = tpu.memref_slice %arg2[%mul3A_4] : memref<204800xi32, #tpu.memory_space<hbm>> -> memref<6400xi32, #tpu.memory_space<hbm>>
      tpu.enqueue_dma source(%dma_start3A_149 : memref<6400xi32, #tpu.memory_space<hbm>>) target(%arg5 : memref<6400xi32, #tpu.memory_space<vmem>>) target_semaphore(%run_scoped3A : memref<!tpu.dma_semaphore, #tpu.memory_space<semaphore_mem>>)
      %dma_wait3A_150 = tpu.memref_slice %arg2[%mul3A_4] : memref<204800xi32, #tpu.memory_space<hbm>> -> memref<6400xi32, #tpu.memory_space<hbm>>
      %dma_wait3A_151 = tpu.memref_slice %arg2[%mul3A_4] : memref<204800xi32, #tpu.memory_space<hbm>> -> memref<6400xi32, #tpu.memory_space<hbm>>
      tpu.wait_dma2 semaphore(%run_scoped3A : memref<!tpu.dma_semaphore, #tpu.memory_space<semaphore_mem>>) src(%dma_wait3A_151 : memref<6400xi32, #tpu.memory_space<hbm>>) dst(%arg5 : memref<6400xi32, #tpu.memory_space<vmem>>)
      tpu.yield
    }) : () -> ()
    %dma_start3A = arith.constant 0 : i32
    %dma_start3A_5 = arith.constant 0 : i32
    %dma_start3A_6 = arith.constant 0 : i32
    %dma_start3A_7 = arith.constant 0 : i32
    %dma_start3A_8 = tpu.memref_slice %arg6[%dma_start3A, %dma_start3A_6, %dma_start3A_7] : memref<4x200x128xf32, #tpu.memory_space<vmem>> -> memref<1x200x128xf32, #tpu.memory_space<vmem>>
    %dma_start3A_9 = tpu.memref_squeeze %dma_start3A_8 : memref<1x200x128xf32, #tpu.memory_space<vmem>> -> memref<200x128xf32, #tpu.memory_space<vmem>>
    %dma_start3A_10 = arith.constant 0 : i32
    %dma_start3A_11 = tpu.memref_slice %arg5[%dma_start3A_10] : memref<6400xi32, #tpu.memory_space<vmem>> -> memref<200xi32, #tpu.memory_space<vmem>>
    %dma_start3A_12 = arith.constant 0 : i32
    %dma_start3A_13 = arith.constant 0 : i32
    %dma_start3A_14 = tpu.memref_slice %arg3[%dma_start3A_12, %dma_start3A_13] : memref<1000001x128xf32, #tpu.memory_space<hbm>> -> memref<1000001x128xf32, #tpu.memory_space<hbm>>
    %dma_start3A_15 = tpu.memref_slice %arg7[%dma_start3A_5] : memref<4x!tpu.dma_semaphore, #tpu.memory_space<semaphore_mem>> -> memref<1x!tpu.dma_semaphore, #tpu.memory_space<semaphore_mem>>
    %dma_start3A_16 = tpu.memref_squeeze %dma_start3A_15 : memref<1x!tpu.dma_semaphore, #tpu.memory_space<semaphore_mem>> -> memref<!tpu.dma_semaphore, #tpu.memory_space<semaphore_mem>>
    tpu.enqueue_indirect_dma source(%dma_start3A_14 : memref<1000001x128xf32, #tpu.memory_space<hbm>>) target(%dma_start3A_9 : memref<200x128xf32, #tpu.memory_space<vmem>>) offsets(%dma_start3A_11 : memref<200xi32, #tpu.memory_space<vmem>>) semaphore(%dma_start3A_16 : memref<!tpu.dma_semaphore, #tpu.memory_space<semaphore_mem>>)
    %dma_start3A_17 = arith.constant 1 : i32
    %dma_start3A_18 = arith.constant 1 : i32
    %dma_start3A_19 = arith.constant 0 : i32
    %dma_start3A_20 = arith.constant 0 : i32
    %dma_start3A_21 = tpu.memref_slice %arg6[%dma_start3A_17, %dma_start3A_19, %dma_start3A_20] : memref<4x200x128xf32, #tpu.memory_space<vmem>> -> memref<1x200x128xf32, #tpu.memory_space<vmem>>
    %dma_start3A_22 = tpu.memref_squeeze %dma_start3A_21 : memref<1x200x128xf32, #tpu.memory_space<vmem>> -> memref<200x128xf32, #tpu.memory_space<vmem>>
    %dma_start3A_23 = arith.constant 200 : i32
    %dma_start3A_24 = tpu.memref_slice %arg5[%dma_start3A_23] : memref<6400xi32, #tpu.memory_space<vmem>> -> memref<200xi32, #tpu.memory_space<vmem>>
    %dma_start3A_25 = arith.constant 0 : i32
    %dma_start3A_26 = arith.constant 0 : i32
    %dma_start3A_27 = tpu.memref_slice %arg3[%dma_start3A_25, %dma_start3A_26] : memref<1000001x128xf32, #tpu.memory_space<hbm>> -> memref<1000001x128xf32, #tpu.memory_space<hbm>>
    %dma_start3A_28 = tpu.memref_slice %arg7[%dma_start3A_18] : memref<4x!tpu.dma_semaphore, #tpu.memory_space<semaphore_mem>> -> memref<1x!tpu.dma_semaphore, #tpu.memory_space<semaphore_mem>>
    %dma_start3A_29 = tpu.memref_squeeze %dma_start3A_28 : memref<1x!tpu.dma_semaphore, #tpu.memory_space<semaphore_mem>> -> memref<!tpu.dma_semaphore, #tpu.memory_space<semaphore_mem>>
    tpu.enqueue_indirect_dma source(%dma_start3A_27 : memref<1000001x128xf32, #tpu.memory_space<hbm>>) target(%dma_start3A_22 : memref<200x128xf32, #tpu.memory_space<vmem>>) offsets(%dma_start3A_24 : memref<200xi32, #tpu.memory_space<vmem>>) semaphore(%dma_start3A_29 : memref<!tpu.dma_semaphore, #tpu.memory_space<semaphore_mem>>)
    %dma_start3A_30 = arith.constant 2 : i32
    %dma_start3A_31 = arith.constant 2 : i32
    %dma_start3A_32 = arith.constant 0 : i32
    %dma_start3A_33 = arith.constant 0 : i32
    %dma_start3A_34 = tpu.memref_slice %arg6[%dma_start3A_30, %dma_start3A_32, %dma_start3A_33] : memref<4x200x128xf32, #tpu.memory_space<vmem>> -> memref<1x200x128xf32, #tpu.memory_space<vmem>>
    %dma_start3A_35 = tpu.memref_squeeze %dma_start3A_34 : memref<1x200x128xf32, #tpu.memory_space<vmem>> -> memref<200x128xf32, #tpu.memory_space<vmem>>
    %dma_start3A_36 = arith.constant 400 : i32
    %dma_start3A_37 = tpu.memref_slice %arg5[%dma_start3A_36] : memref<6400xi32, #tpu.memory_space<vmem>> -> memref<200xi32, #tpu.memory_space<vmem>>
    %dma_start3A_38 = arith.constant 0 : i32
    %dma_start3A_39 = arith.constant 0 : i32
    %dma_start3A_40 = tpu.memref_slice %arg3[%dma_start3A_38, %dma_start3A_39] : memref<1000001x128xf32, #tpu.memory_space<hbm>> -> memref<1000001x128xf32, #tpu.memory_space<hbm>>
    %dma_start3A_41 = tpu.memref_slice %arg7[%dma_start3A_31] : memref<4x!tpu.dma_semaphore, #tpu.memory_space<semaphore_mem>> -> memref<1x!tpu.dma_semaphore, #tpu.memory_space<semaphore_mem>>
    %dma_start3A_42 = tpu.memref_squeeze %dma_start3A_41 : memref<1x!tpu.dma_semaphore, #tpu.memory_space<semaphore_mem>> -> memref<!tpu.dma_semaphore, #tpu.memory_space<semaphore_mem>>
    tpu.enqueue_indirect_dma source(%dma_start3A_40 : memref<1000001x128xf32, #tpu.memory_space<hbm>>) target(%dma_start3A_35 : memref<200x128xf32, #tpu.memory_space<vmem>>) offsets(%dma_start3A_37 : memref<200xi32, #tpu.memory_space<vmem>>) semaphore(%dma_start3A_42 : memref<!tpu.dma_semaphore, #tpu.memory_space<semaphore_mem>>)
    %dma_start3A_43 = arith.constant 3 : i32
    %dma_start3A_44 = arith.constant 3 : i32
    %dma_start3A_45 = arith.constant 0 : i32
    %dma_start3A_46 = arith.constant 0 : i32
    %dma_start3A_47 = tpu.memref_slice %arg6[%dma_start3A_43, %dma_start3A_45, %dma_start3A_46] : memref<4x200x128xf32, #tpu.memory_space<vmem>> -> memref<1x200x128xf32, #tpu.memory_space<vmem>>
    %dma_start3A_48 = tpu.memref_squeeze %dma_start3A_47 : memref<1x200x128xf32, #tpu.memory_space<vmem>> -> memref<200x128xf32, #tpu.memory_space<vmem>>
    %dma_start3A_49 = arith.constant 600 : i32
    %dma_start3A_50 = tpu.memref_slice %arg5[%dma_start3A_49] : memref<6400xi32, #tpu.memory_space<vmem>> -> memref<200xi32, #tpu.memory_space<vmem>>
    %dma_start3A_51 = arith.constant 0 : i32
    %dma_start3A_52 = arith.constant 0 : i32
    %dma_start3A_53 = tpu.memref_slice %arg3[%dma_start3A_51, %dma_start3A_52] : memref<1000001x128xf32, #tpu.memory_space<hbm>> -> memref<1000001x128xf32, #tpu.memory_space<hbm>>
    %dma_start3A_54 = tpu.memref_slice %arg7[%dma_start3A_44] : memref<4x!tpu.dma_semaphore, #tpu.memory_space<semaphore_mem>> -> memref<1x!tpu.dma_semaphore, #tpu.memory_space<semaphore_mem>>
    %dma_start3A_55 = tpu.memref_squeeze %dma_start3A_54 : memref<1x!tpu.dma_semaphore, #tpu.memory_space<semaphore_mem>> -> memref<!tpu.dma_semaphore, #tpu.memory_space<semaphore_mem>>
    tpu.enqueue_indirect_dma source(%dma_start3A_53 : memref<1000001x128xf32, #tpu.memory_space<hbm>>) target(%dma_start3A_48 : memref<200x128xf32, #tpu.memory_space<vmem>>) offsets(%dma_start3A_50 : memref<200xi32, #tpu.memory_space<vmem>>) semaphore(%dma_start3A_55 : memref<!tpu.dma_semaphore, #tpu.memory_space<semaphore_mem>>)
    %scan3A = arith.constant 0 : i32
    %scan3A_56 = arith.constant 0 : i32
    %scan3A_57 = arith.constant 8 : i32
    %scan3A_58 = arith.addi %scan3A_56, %scan3A_57 : i32
    %scan3A_59 = arith.constant 1 : i32
    scf.for %scan3A_148 = %scan3A_56 to %scan3A_58 step %scan3A_59  : i32 {
      %mul3A_149 = arith.constant 4 : i32
      %mul3A_150 = arith.muli %scan3A_148, %mul3A_149 : i32
      %add3A_151 = arith.constant 0 : i32
      %add3A_152 = arith.addi %mul3A_150, %add3A_151 : i32
      %mul3A_153 = arith.constant 200 : i32
      %mul3A_154 = arith.muli %add3A_152, %mul3A_153 : i32
      %dma_wait3A_155 = arith.constant 0 : i32
      %dma_wait3A_156 = arith.constant 0 : i32
      %dma_wait3A_157 = arith.constant 0 : i32
      %dma_wait3A_158 = arith.constant 0 : i32
      %dma_wait3A_159 = tpu.memref_slice %arg6[%dma_wait3A_155, %dma_wait3A_157, %dma_wait3A_158] : memref<4x200x128xf32, #tpu.memory_space<vmem>> -> memref<1x200x128xf32, #tpu.memory_space<vmem>>
      %dma_wait3A_160 = tpu.memref_squeeze %dma_wait3A_159 : memref<1x200x128xf32, #tpu.memory_space<vmem>> -> memref<200x128xf32, #tpu.memory_space<vmem>>
      %dma_wait3A_161 = tpu.memref_slice %arg5[%mul3A_154] : memref<6400xi32, #tpu.memory_space<vmem>> -> memref<200xi32, #tpu.memory_space<vmem>>
      %dma_wait3A_162 = arith.constant 0 : i32
      %dma_wait3A_163 = arith.constant 0 : i32
      %dma_wait3A_164 = tpu.memref_slice %arg3[%dma_wait3A_162, %dma_wait3A_163] : memref<1000001x128xf32, #tpu.memory_space<hbm>> -> memref<1000001x128xf32, #tpu.memory_space<hbm>>
      %dma_wait3A_165 = tpu.memref_slice %arg7[%dma_wait3A_156] : memref<4x!tpu.dma_semaphore, #tpu.memory_space<semaphore_mem>> -> memref<1x!tpu.dma_semaphore, #tpu.memory_space<semaphore_mem>>
      %dma_wait3A_166 = tpu.memref_squeeze %dma_wait3A_165 : memref<1x!tpu.dma_semaphore, #tpu.memory_space<semaphore_mem>> -> memref<!tpu.dma_semaphore, #tpu.memory_space<semaphore_mem>>
      tpu.wait_indirect_dma semaphore(%dma_wait3A_166 : memref<!tpu.dma_semaphore, #tpu.memory_space<semaphore_mem>>) src(%dma_wait3A_164 : memref<1000001x128xf32, #tpu.memory_space<hbm>>) dst(%dma_wait3A_160 : memref<200x128xf32, #tpu.memory_space<vmem>>)
      %add3A_167 = arith.addi %mul3A_2, %add3A_152 : i32
      %dma_start3A_168 = arith.constant 0 : i32
      %dma_start3A_169 = arith.constant 0 : i32
      %dma_start3A_170 = arith.constant 0 : i32
      %dma_start3A_171 = arith.constant 0 : i32
      %dma_start3A_172 = tpu.memref_slice %arg6[%dma_start3A_168, %dma_start3A_170, %dma_start3A_171] : memref<4x200x128xf32, #tpu.memory_space<vmem>> -> memref<1x200x128xf32, #tpu.memory_space<vmem>>
      %dma_start3A_173 = tpu.memref_squeeze %dma_start3A_172 : memref<1x200x128xf32, #tpu.memory_space<vmem>> -> memref<200x128xf32, #tpu.memory_space<vmem>>
      %dma_start3A_174 = arith.constant 0 : i32
      %dma_start3A_175 = arith.constant 0 : i32
      %dma_start3A_176 = tpu.memref_slice %arg4[%add3A_167, %dma_start3A_174, %dma_start3A_175] : memref<1024x200x128xf32, #tpu.memory_space<hbm>> -> memref<1x200x128xf32, #tpu.memory_space<hbm>>
      %dma_start3A_177 = tpu.memref_squeeze %dma_start3A_176 : memref<1x200x128xf32, #tpu.memory_space<hbm>> -> memref<200x128xf32, #tpu.memory_space<hbm>>
      %dma_start3A_178 = tpu.memref_slice %arg8[%dma_start3A_169] : memref<4x!tpu.dma_semaphore, #tpu.memory_space<semaphore_mem>> -> memref<1x!tpu.dma_semaphore, #tpu.memory_space<semaphore_mem>>
      %dma_start3A_179 = tpu.memref_squeeze %dma_start3A_178 : memref<1x!tpu.dma_semaphore, #tpu.memory_space<semaphore_mem>> -> memref<!tpu.dma_semaphore, #tpu.memory_space<semaphore_mem>>
      %dma_start3A_180 = arith.constant 0 : i32
      %dma_start3A_181 = arith.constant 0 : i32
      %dma_start3A_182 = tpu.memref_slice %arg4[%add3A_167, %dma_start3A_180, %dma_start3A_181] : memref<1024x200x128xf32, #tpu.memory_space<hbm>> -> memref<1x200x128xf32, #tpu.memory_space<hbm>>
      %dma_start3A_183 = tpu.memref_squeeze %dma_start3A_182 : memref<1x200x128xf32, #tpu.memory_space<hbm>> -> memref<200x128xf32, #tpu.memory_space<hbm>>
      %dma_start3A_184 = arith.constant 0 : i32
      %dma_start3A_185 = arith.constant 0 : i32
      %dma_start3A_186 = tpu.memref_slice %arg6[%dma_start3A_168, %dma_start3A_184, %dma_start3A_185] : memref<4x200x128xf32, #tpu.memory_space<vmem>> -> memref<1x200x128xf32, #tpu.memory_space<vmem>>
      %dma_start3A_187 = tpu.memref_squeeze %dma_start3A_186 : memref<1x200x128xf32, #tpu.memory_space<vmem>> -> memref<200x128xf32, #tpu.memory_space<vmem>>
      tpu.enqueue_dma source(%dma_start3A_187 : memref<200x128xf32, #tpu.memory_space<vmem>>) target(%dma_start3A_183 : memref<200x128xf32, #tpu.memory_space<hbm>>) target_semaphore(%dma_start3A_179 : memref<!tpu.dma_semaphore, #tpu.memory_space<semaphore_mem>>)
      %add3A_188 = arith.constant 1 : i32
      %add3A_189 = arith.addi %scan3A_148, %add3A_188 : i32
      %lt3A = arith.constant 8 : i32
      %lt3A_190 = arith.cmpi slt, %add3A_189, %lt3A : i32
      %convert_element_type3A = arith.extui %lt3A_190 : i1 to i32
      %cond3A = arith.constant 0 : i32
      %cond3A_191 = arith.cmpi ne, %convert_element_type3A, %cond3A : i32
      scf.if %cond3A_191 {
        %add3A_330 = arith.addi %mul3A_2, %add3A_152 : i32
        %dma_wait3A_331 = arith.constant 0 : i32
        %dma_wait3A_332 = arith.constant 0 : i32
        %dma_wait3A_333 = arith.constant 0 : i32
        %dma_wait3A_334 = arith.constant 0 : i32
        %dma_wait3A_335 = tpu.memref_slice %arg6[%dma_wait3A_331, %dma_wait3A_333, %dma_wait3A_334] : memref<4x200x128xf32, #tpu.memory_space<vmem>> -> memref<1x200x128xf32, #tpu.memory_space<vmem>>
        %dma_wait3A_336 = tpu.memref_squeeze %dma_wait3A_335 : memref<1x200x128xf32, #tpu.memory_space<vmem>> -> memref<200x128xf32, #tpu.memory_space<vmem>>
        %dma_wait3A_337 = arith.constant 0 : i32
        %dma_wait3A_338 = arith.constant 0 : i32
        %dma_wait3A_339 = tpu.memref_slice %arg4[%add3A_330, %dma_wait3A_337, %dma_wait3A_338] : memref<1024x200x128xf32, #tpu.memory_space<hbm>> -> memref<1x200x128xf32, #tpu.memory_space<hbm>>
        %dma_wait3A_340 = tpu.memref_squeeze %dma_wait3A_339 : memref<1x200x128xf32, #tpu.memory_space<hbm>> -> memref<200x128xf32, #tpu.memory_space<hbm>>
        %dma_wait3A_341 = tpu.memref_slice %arg8[%dma_wait3A_332] : memref<4x!tpu.dma_semaphore, #tpu.memory_space<semaphore_mem>> -> memref<1x!tpu.dma_semaphore, #tpu.memory_space<semaphore_mem>>
        %dma_wait3A_342 = tpu.memref_squeeze %dma_wait3A_341 : memref<1x!tpu.dma_semaphore, #tpu.memory_space<semaphore_mem>> -> memref<!tpu.dma_semaphore, #tpu.memory_space<semaphore_mem>>
        %dma_wait3A_343 = arith.constant 0 : i32
        %dma_wait3A_344 = arith.constant 0 : i32
        %dma_wait3A_345 = tpu.memref_slice %arg4[%add3A_330, %dma_wait3A_343, %dma_wait3A_344] : memref<1024x200x128xf32, #tpu.memory_space<hbm>> -> memref<1x200x128xf32, #tpu.memory_space<hbm>>
        %dma_wait3A_346 = tpu.memref_squeeze %dma_wait3A_345 : memref<1x200x128xf32, #tpu.memory_space<hbm>> -> memref<200x128xf32, #tpu.memory_space<hbm>>
        %dma_wait3A_347 = arith.constant 0 : i32
        %dma_wait3A_348 = arith.constant 0 : i32
        %dma_wait3A_349 = tpu.memref_slice %arg6[%dma_wait3A_331, %dma_wait3A_347, %dma_wait3A_348] : memref<4x200x128xf32, #tpu.memory_space<vmem>> -> memref<1x200x128xf32, #tpu.memory_space<vmem>>
        %dma_wait3A_350 = tpu.memref_squeeze %dma_wait3A_349 : memref<1x200x128xf32, #tpu.memory_space<vmem>> -> memref<200x128xf32, #tpu.memory_space<vmem>>
        tpu.wait_dma2 semaphore(%dma_wait3A_342 : memref<!tpu.dma_semaphore, #tpu.memory_space<semaphore_mem>>) src(%dma_wait3A_350 : memref<200x128xf32, #tpu.memory_space<vmem>>) dst(%dma_wait3A_346 : memref<200x128xf32, #tpu.memory_space<hbm>>)
        %add3A_351 = arith.constant 4 : i32
        %add3A_352 = arith.addi %add3A_152, %add3A_351 : i32
        %mul3A_353 = arith.constant 200 : i32
        %mul3A_354 = arith.muli %add3A_352, %mul3A_353 : i32
        %dma_start3A_355 = arith.constant 0 : i32
        %dma_start3A_356 = arith.constant 0 : i32
        %dma_start3A_357 = arith.constant 0 : i32
        %dma_start3A_358 = arith.constant 0 : i32
        %dma_start3A_359 = tpu.memref_slice %arg6[%dma_start3A_355, %dma_start3A_357, %dma_start3A_358] : memref<4x200x128xf32, #tpu.memory_space<vmem>> -> memref<1x200x128xf32, #tpu.memory_space<vmem>>
        %dma_start3A_360 = tpu.memref_squeeze %dma_start3A_359 : memref<1x200x128xf32, #tpu.memory_space<vmem>> -> memref<200x128xf32, #tpu.memory_space<vmem>>
        %dma_start3A_361 = tpu.memref_slice %arg5[%mul3A_354] : memref<6400xi32, #tpu.memory_space<vmem>> -> memref<200xi32, #tpu.memory_space<vmem>>
        %dma_start3A_362 = arith.constant 0 : i32
        %dma_start3A_363 = arith.constant 0 : i32
        %dma_start3A_364 = tpu.memref_slice %arg3[%dma_start3A_362, %dma_start3A_363] : memref<1000001x128xf32, #tpu.memory_space<hbm>> -> memref<1000001x128xf32, #tpu.memory_space<hbm>>
        %dma_start3A_365 = tpu.memref_slice %arg7[%dma_start3A_356] : memref<4x!tpu.dma_semaphore, #tpu.memory_space<semaphore_mem>> -> memref<1x!tpu.dma_semaphore, #tpu.memory_space<semaphore_mem>>
        %dma_start3A_366 = tpu.memref_squeeze %dma_start3A_365 : memref<1x!tpu.dma_semaphore, #tpu.memory_space<semaphore_mem>> -> memref<!tpu.dma_semaphore, #tpu.memory_space<semaphore_mem>>
        tpu.enqueue_indirect_dma source(%dma_start3A_364 : memref<1000001x128xf32, #tpu.memory_space<hbm>>) target(%dma_start3A_360 : memref<200x128xf32, #tpu.memory_space<vmem>>) offsets(%dma_start3A_361 : memref<200xi32, #tpu.memory_space<vmem>>) semaphore(%dma_start3A_366 : memref<!tpu.dma_semaphore, #tpu.memory_space<semaphore_mem>>)
      } else {
      }
      %mul3A_192 = arith.constant 4 : i32
      %mul3A_193 = arith.muli %scan3A_148, %mul3A_192 : i32
      %add3A_194 = arith.constant 1 : i32
      %add3A_195 = arith.addi %mul3A_193, %add3A_194 : i32
      %mul3A_196 = arith.constant 200 : i32
      %mul3A_197 = arith.muli %add3A_195, %mul3A_196 : i32
      %dma_wait3A_198 = arith.constant 1 : i32
      %dma_wait3A_199 = arith.constant 1 : i32
      %dma_wait3A_200 = arith.constant 0 : i32
      %dma_wait3A_201 = arith.constant 0 : i32
      %dma_wait3A_202 = tpu.memref_slice %arg6[%dma_wait3A_198, %dma_wait3A_200, %dma_wait3A_201] : memref<4x200x128xf32, #tpu.memory_space<vmem>> -> memref<1x200x128xf32, #tpu.memory_space<vmem>>
      %dma_wait3A_203 = tpu.memref_squeeze %dma_wait3A_202 : memref<1x200x128xf32, #tpu.memory_space<vmem>> -> memref<200x128xf32, #tpu.memory_space<vmem>>
      %dma_wait3A_204 = tpu.memref_slice %arg5[%mul3A_197] : memref<6400xi32, #tpu.memory_space<vmem>> -> memref<200xi32, #tpu.memory_space<vmem>>
      %dma_wait3A_205 = arith.constant 0 : i32
      %dma_wait3A_206 = arith.constant 0 : i32
      %dma_wait3A_207 = tpu.memref_slice %arg3[%dma_wait3A_205, %dma_wait3A_206] : memref<1000001x128xf32, #tpu.memory_space<hbm>> -> memref<1000001x128xf32, #tpu.memory_space<hbm>>
      %dma_wait3A_208 = tpu.memref_slice %arg7[%dma_wait3A_199] : memref<4x!tpu.dma_semaphore, #tpu.memory_space<semaphore_mem>> -> memref<1x!tpu.dma_semaphore, #tpu.memory_space<semaphore_mem>>
      %dma_wait3A_209 = tpu.memref_squeeze %dma_wait3A_208 : memref<1x!tpu.dma_semaphore, #tpu.memory_space<semaphore_mem>> -> memref<!tpu.dma_semaphore, #tpu.memory_space<semaphore_mem>>
      tpu.wait_indirect_dma semaphore(%dma_wait3A_209 : memref<!tpu.dma_semaphore, #tpu.memory_space<semaphore_mem>>) src(%dma_wait3A_207 : memref<1000001x128xf32, #tpu.memory_space<hbm>>) dst(%dma_wait3A_203 : memref<200x128xf32, #tpu.memory_space<vmem>>)
      %add3A_210 = arith.addi %mul3A_2, %add3A_195 : i32
      %dma_start3A_211 = arith.constant 1 : i32
      %dma_start3A_212 = arith.constant 1 : i32
      %dma_start3A_213 = arith.constant 0 : i32
      %dma_start3A_214 = arith.constant 0 : i32
      %dma_start3A_215 = tpu.memref_slice %arg6[%dma_start3A_211, %dma_start3A_213, %dma_start3A_214] : memref<4x200x128xf32, #tpu.memory_space<vmem>> -> memref<1x200x128xf32, #tpu.memory_space<vmem>>
      %dma_start3A_216 = tpu.memref_squeeze %dma_start3A_215 : memref<1x200x128xf32, #tpu.memory_space<vmem>> -> memref<200x128xf32, #tpu.memory_space<vmem>>
      %dma_start3A_217 = arith.constant 0 : i32
      %dma_start3A_218 = arith.constant 0 : i32
      %dma_start3A_219 = tpu.memref_slice %arg4[%add3A_210, %dma_start3A_217, %dma_start3A_218] : memref<1024x200x128xf32, #tpu.memory_space<hbm>> -> memref<1x200x128xf32, #tpu.memory_space<hbm>>
      %dma_start3A_220 = tpu.memref_squeeze %dma_start3A_219 : memref<1x200x128xf32, #tpu.memory_space<hbm>> -> memref<200x128xf32, #tpu.memory_space<hbm>>
      %dma_start3A_221 = tpu.memref_slice %arg8[%dma_start3A_212] : memref<4x!tpu.dma_semaphore, #tpu.memory_space<semaphore_mem>> -> memref<1x!tpu.dma_semaphore, #tpu.memory_space<semaphore_mem>>
      %dma_start3A_222 = tpu.memref_squeeze %dma_start3A_221 : memref<1x!tpu.dma_semaphore, #tpu.memory_space<semaphore_mem>> -> memref<!tpu.dma_semaphore, #tpu.memory_space<semaphore_mem>>
      %dma_start3A_223 = arith.constant 0 : i32
      %dma_start3A_224 = arith.constant 0 : i32
      %dma_start3A_225 = tpu.memref_slice %arg4[%add3A_210, %dma_start3A_223, %dma_start3A_224] : memref<1024x200x128xf32, #tpu.memory_space<hbm>> -> memref<1x200x128xf32, #tpu.memory_space<hbm>>
      %dma_start3A_226 = tpu.memref_squeeze %dma_start3A_225 : memref<1x200x128xf32, #tpu.memory_space<hbm>> -> memref<200x128xf32, #tpu.memory_space<hbm>>
      %dma_start3A_227 = arith.constant 0 : i32
      %dma_start3A_228 = arith.constant 0 : i32
      %dma_start3A_229 = tpu.memref_slice %arg6[%dma_start3A_211, %dma_start3A_227, %dma_start3A_228] : memref<4x200x128xf32, #tpu.memory_space<vmem>> -> memref<1x200x128xf32, #tpu.memory_space<vmem>>
      %dma_start3A_230 = tpu.memref_squeeze %dma_start3A_229 : memref<1x200x128xf32, #tpu.memory_space<vmem>> -> memref<200x128xf32, #tpu.memory_space<vmem>>
      tpu.enqueue_dma source(%dma_start3A_230 : memref<200x128xf32, #tpu.memory_space<vmem>>) target(%dma_start3A_226 : memref<200x128xf32, #tpu.memory_space<hbm>>) target_semaphore(%dma_start3A_222 : memref<!tpu.dma_semaphore, #tpu.memory_space<semaphore_mem>>)
      %add3A_231 = arith.constant 1 : i32
      %add3A_232 = arith.addi %scan3A_148, %add3A_231 : i32
      %lt3A_233 = arith.constant 8 : i32
      %lt3A_234 = arith.cmpi slt, %add3A_232, %lt3A_233 : i32
      %convert_element_type3A_235 = arith.extui %lt3A_234 : i1 to i32
      %cond3A_236 = arith.constant 0 : i32
      %cond3A_237 = arith.cmpi ne, %convert_element_type3A_235, %cond3A_236 : i32
      scf.if %cond3A_237 {
        %add3A_330 = arith.addi %mul3A_2, %add3A_195 : i32
        %dma_wait3A_331 = arith.constant 1 : i32
        %dma_wait3A_332 = arith.constant 1 : i32
        %dma_wait3A_333 = arith.constant 0 : i32
        %dma_wait3A_334 = arith.constant 0 : i32
        %dma_wait3A_335 = tpu.memref_slice %arg6[%dma_wait3A_331, %dma_wait3A_333, %dma_wait3A_334] : memref<4x200x128xf32, #tpu.memory_space<vmem>> -> memref<1x200x128xf32, #tpu.memory_space<vmem>>
        %dma_wait3A_336 = tpu.memref_squeeze %dma_wait3A_335 : memref<1x200x128xf32, #tpu.memory_space<vmem>> -> memref<200x128xf32, #tpu.memory_space<vmem>>
        %dma_wait3A_337 = arith.constant 0 : i32
        %dma_wait3A_338 = arith.constant 0 : i32
        %dma_wait3A_339 = tpu.memref_slice %arg4[%add3A_330, %dma_wait3A_337, %dma_wait3A_338] : memref<1024x200x128xf32, #tpu.memory_space<hbm>> -> memref<1x200x128xf32, #tpu.memory_space<hbm>>
        %dma_wait3A_340 = tpu.memref_squeeze %dma_wait3A_339 : memref<1x200x128xf32, #tpu.memory_space<hbm>> -> memref<200x128xf32, #tpu.memory_space<hbm>>
        %dma_wait3A_341 = tpu.memref_slice %arg8[%dma_wait3A_332] : memref<4x!tpu.dma_semaphore, #tpu.memory_space<semaphore_mem>> -> memref<1x!tpu.dma_semaphore, #tpu.memory_space<semaphore_mem>>
        %dma_wait3A_342 = tpu.memref_squeeze %dma_wait3A_341 : memref<1x!tpu.dma_semaphore, #tpu.memory_space<semaphore_mem>> -> memref<!tpu.dma_semaphore, #tpu.memory_space<semaphore_mem>>
        %dma_wait3A_343 = arith.constant 0 : i32
        %dma_wait3A_344 = arith.constant 0 : i32
        %dma_wait3A_345 = tpu.memref_slice %arg4[%add3A_330, %dma_wait3A_343, %dma_wait3A_344] : memref<1024x200x128xf32, #tpu.memory_space<hbm>> -> memref<1x200x128xf32, #tpu.memory_space<hbm>>
        %dma_wait3A_346 = tpu.memref_squeeze %dma_wait3A_345 : memref<1x200x128xf32, #tpu.memory_space<hbm>> -> memref<200x128xf32, #tpu.memory_space<hbm>>
        %dma_wait3A_347 = arith.constant 0 : i32
        %dma_wait3A_348 = arith.constant 0 : i32
        %dma_wait3A_349 = tpu.memref_slice %arg6[%dma_wait3A_331, %dma_wait3A_347, %dma_wait3A_348] : memref<4x200x128xf32, #tpu.memory_space<vmem>> -> memref<1x200x128xf32, #tpu.memory_space<vmem>>
        %dma_wait3A_350 = tpu.memref_squeeze %dma_wait3A_349 : memref<1x200x128xf32, #tpu.memory_space<vmem>> -> memref<200x128xf32, #tpu.memory_space<vmem>>
        tpu.wait_dma2 semaphore(%dma_wait3A_342 : memref<!tpu.dma_semaphore, #tpu.memory_space<semaphore_mem>>) src(%dma_wait3A_350 : memref<200x128xf32, #tpu.memory_space<vmem>>) dst(%dma_wait3A_346 : memref<200x128xf32, #tpu.memory_space<hbm>>)
        %add3A_351 = arith.constant 4 : i32
        %add3A_352 = arith.addi %add3A_195, %add3A_351 : i32
        %mul3A_353 = arith.constant 200 : i32
        %mul3A_354 = arith.muli %add3A_352, %mul3A_353 : i32
        %dma_start3A_355 = arith.constant 1 : i32
        %dma_start3A_356 = arith.constant 1 : i32
        %dma_start3A_357 = arith.constant 0 : i32
        %dma_start3A_358 = arith.constant 0 : i32
        %dma_start3A_359 = tpu.memref_slice %arg6[%dma_start3A_355, %dma_start3A_357, %dma_start3A_358] : memref<4x200x128xf32, #tpu.memory_space<vmem>> -> memref<1x200x128xf32, #tpu.memory_space<vmem>>
        %dma_start3A_360 = tpu.memref_squeeze %dma_start3A_359 : memref<1x200x128xf32, #tpu.memory_space<vmem>> -> memref<200x128xf32, #tpu.memory_space<vmem>>
        %dma_start3A_361 = tpu.memref_slice %arg5[%mul3A_354] : memref<6400xi32, #tpu.memory_space<vmem>> -> memref<200xi32, #tpu.memory_space<vmem>>
        %dma_start3A_362 = arith.constant 0 : i32
        %dma_start3A_363 = arith.constant 0 : i32
        %dma_start3A_364 = tpu.memref_slice %arg3[%dma_start3A_362, %dma_start3A_363] : memref<1000001x128xf32, #tpu.memory_space<hbm>> -> memref<1000001x128xf32, #tpu.memory_space<hbm>>
        %dma_start3A_365 = tpu.memref_slice %arg7[%dma_start3A_356] : memref<4x!tpu.dma_semaphore, #tpu.memory_space<semaphore_mem>> -> memref<1x!tpu.dma_semaphore, #tpu.memory_space<semaphore_mem>>
        %dma_start3A_366 = tpu.memref_squeeze %dma_start3A_365 : memref<1x!tpu.dma_semaphore, #tpu.memory_space<semaphore_mem>> -> memref<!tpu.dma_semaphore, #tpu.memory_space<semaphore_mem>>
        tpu.enqueue_indirect_dma source(%dma_start3A_364 : memref<1000001x128xf32, #tpu.memory_space<hbm>>) target(%dma_start3A_360 : memref<200x128xf32, #tpu.memory_space<vmem>>) offsets(%dma_start3A_361 : memref<200xi32, #tpu.memory_space<vmem>>) semaphore(%dma_start3A_366 : memref<!tpu.dma_semaphore, #tpu.memory_space<semaphore_mem>>)
      } else {
      }
      %mul3A_238 = arith.constant 4 : i32
      %mul3A_239 = arith.muli %scan3A_148, %mul3A_238 : i32
      %add3A_240 = arith.constant 2 : i32
      %add3A_241 = arith.addi %mul3A_239, %add3A_240 : i32
      %mul3A_242 = arith.constant 200 : i32
      %mul3A_243 = arith.muli %add3A_241, %mul3A_242 : i32
      %dma_wait3A_244 = arith.constant 2 : i32
      %dma_wait3A_245 = arith.constant 2 : i32
      %dma_wait3A_246 = arith.constant 0 : i32
      %dma_wait3A_247 = arith.constant 0 : i32
      %dma_wait3A_248 = tpu.memref_slice %arg6[%dma_wait3A_244, %dma_wait3A_246, %dma_wait3A_247] : memref<4x200x128xf32, #tpu.memory_space<vmem>> -> memref<1x200x128xf32, #tpu.memory_space<vmem>>
      %dma_wait3A_249 = tpu.memref_squeeze %dma_wait3A_248 : memref<1x200x128xf32, #tpu.memory_space<vmem>> -> memref<200x128xf32, #tpu.memory_space<vmem>>
      %dma_wait3A_250 = tpu.memref_slice %arg5[%mul3A_243] : memref<6400xi32, #tpu.memory_space<vmem>> -> memref<200xi32, #tpu.memory_space<vmem>>
      %dma_wait3A_251 = arith.constant 0 : i32
      %dma_wait3A_252 = arith.constant 0 : i32
      %dma_wait3A_253 = tpu.memref_slice %arg3[%dma_wait3A_251, %dma_wait3A_252] : memref<1000001x128xf32, #tpu.memory_space<hbm>> -> memref<1000001x128xf32, #tpu.memory_space<hbm>>
      %dma_wait3A_254 = tpu.memref_slice %arg7[%dma_wait3A_245] : memref<4x!tpu.dma_semaphore, #tpu.memory_space<semaphore_mem>> -> memref<1x!tpu.dma_semaphore, #tpu.memory_space<semaphore_mem>>
      %dma_wait3A_255 = tpu.memref_squeeze %dma_wait3A_254 : memref<1x!tpu.dma_semaphore, #tpu.memory_space<semaphore_mem>> -> memref<!tpu.dma_semaphore, #tpu.memory_space<semaphore_mem>>
      tpu.wait_indirect_dma semaphore(%dma_wait3A_255 : memref<!tpu.dma_semaphore, #tpu.memory_space<semaphore_mem>>) src(%dma_wait3A_253 : memref<1000001x128xf32, #tpu.memory_space<hbm>>) dst(%dma_wait3A_249 : memref<200x128xf32, #tpu.memory_space<vmem>>)
      %add3A_256 = arith.addi %mul3A_2, %add3A_241 : i32
      %dma_start3A_257 = arith.constant 2 : i32
      %dma_start3A_258 = arith.constant 2 : i32
      %dma_start3A_259 = arith.constant 0 : i32
      %dma_start3A_260 = arith.constant 0 : i32
      %dma_start3A_261 = tpu.memref_slice %arg6[%dma_start3A_257, %dma_start3A_259, %dma_start3A_260] : memref<4x200x128xf32, #tpu.memory_space<vmem>> -> memref<1x200x128xf32, #tpu.memory_space<vmem>>
      %dma_start3A_262 = tpu.memref_squeeze %dma_start3A_261 : memref<1x200x128xf32, #tpu.memory_space<vmem>> -> memref<200x128xf32, #tpu.memory_space<vmem>>
      %dma_start3A_263 = arith.constant 0 : i32
      %dma_start3A_264 = arith.constant 0 : i32
      %dma_start3A_265 = tpu.memref_slice %arg4[%add3A_256, %dma_start3A_263, %dma_start3A_264] : memref<1024x200x128xf32, #tpu.memory_space<hbm>> -> memref<1x200x128xf32, #tpu.memory_space<hbm>>
      %dma_start3A_266 = tpu.memref_squeeze %dma_start3A_265 : memref<1x200x128xf32, #tpu.memory_space<hbm>> -> memref<200x128xf32, #tpu.memory_space<hbm>>
      %dma_start3A_267 = tpu.memref_slice %arg8[%dma_start3A_258] : memref<4x!tpu.dma_semaphore, #tpu.memory_space<semaphore_mem>> -> memref<1x!tpu.dma_semaphore, #tpu.memory_space<semaphore_mem>>
      %dma_start3A_268 = tpu.memref_squeeze %dma_start3A_267 : memref<1x!tpu.dma_semaphore, #tpu.memory_space<semaphore_mem>> -> memref<!tpu.dma_semaphore, #tpu.memory_space<semaphore_mem>>
      %dma_start3A_269 = arith.constant 0 : i32
      %dma_start3A_270 = arith.constant 0 : i32
      %dma_start3A_271 = tpu.memref_slice %arg4[%add3A_256, %dma_start3A_269, %dma_start3A_270] : memref<1024x200x128xf32, #tpu.memory_space<hbm>> -> memref<1x200x128xf32, #tpu.memory_space<hbm>>
      %dma_start3A_272 = tpu.memref_squeeze %dma_start3A_271 : memref<1x200x128xf32, #tpu.memory_space<hbm>> -> memref<200x128xf32, #tpu.memory_space<hbm>>
      %dma_start3A_273 = arith.constant 0 : i32
      %dma_start3A_274 = arith.constant 0 : i32
      %dma_start3A_275 = tpu.memref_slice %arg6[%dma_start3A_257, %dma_start3A_273, %dma_start3A_274] : memref<4x200x128xf32, #tpu.memory_space<vmem>> -> memref<1x200x128xf32, #tpu.memory_space<vmem>>
      %dma_start3A_276 = tpu.memref_squeeze %dma_start3A_275 : memref<1x200x128xf32, #tpu.memory_space<vmem>> -> memref<200x128xf32, #tpu.memory_space<vmem>>
      tpu.enqueue_dma source(%dma_start3A_276 : memref<200x128xf32, #tpu.memory_space<vmem>>) target(%dma_start3A_272 : memref<200x128xf32, #tpu.memory_space<hbm>>) target_semaphore(%dma_start3A_268 : memref<!tpu.dma_semaphore, #tpu.memory_space<semaphore_mem>>)
      %add3A_277 = arith.constant 1 : i32
      %add3A_278 = arith.addi %scan3A_148, %add3A_277 : i32
      %lt3A_279 = arith.constant 8 : i32
      %lt3A_280 = arith.cmpi slt, %add3A_278, %lt3A_279 : i32
      %convert_element_type3A_281 = arith.extui %lt3A_280 : i1 to i32
      %cond3A_282 = arith.constant 0 : i32
      %cond3A_283 = arith.cmpi ne, %convert_element_type3A_281, %cond3A_282 : i32
      scf.if %cond3A_283 {
        %add3A_330 = arith.addi %mul3A_2, %add3A_241 : i32
        %dma_wait3A_331 = arith.constant 2 : i32
        %dma_wait3A_332 = arith.constant 2 : i32
        %dma_wait3A_333 = arith.constant 0 : i32
        %dma_wait3A_334 = arith.constant 0 : i32
        %dma_wait3A_335 = tpu.memref_slice %arg6[%dma_wait3A_331, %dma_wait3A_333, %dma_wait3A_334] : memref<4x200x128xf32, #tpu.memory_space<vmem>> -> memref<1x200x128xf32, #tpu.memory_space<vmem>>
        %dma_wait3A_336 = tpu.memref_squeeze %dma_wait3A_335 : memref<1x200x128xf32, #tpu.memory_space<vmem>> -> memref<200x128xf32, #tpu.memory_space<vmem>>
        %dma_wait3A_337 = arith.constant 0 : i32
        %dma_wait3A_338 = arith.constant 0 : i32
        %dma_wait3A_339 = tpu.memref_slice %arg4[%add3A_330, %dma_wait3A_337, %dma_wait3A_338] : memref<1024x200x128xf32, #tpu.memory_space<hbm>> -> memref<1x200x128xf32, #tpu.memory_space<hbm>>
        %dma_wait3A_340 = tpu.memref_squeeze %dma_wait3A_339 : memref<1x200x128xf32, #tpu.memory_space<hbm>> -> memref<200x128xf32, #tpu.memory_space<hbm>>
        %dma_wait3A_341 = tpu.memref_slice %arg8[%dma_wait3A_332] : memref<4x!tpu.dma_semaphore, #tpu.memory_space<semaphore_mem>> -> memref<1x!tpu.dma_semaphore, #tpu.memory_space<semaphore_mem>>
        %dma_wait3A_342 = tpu.memref_squeeze %dma_wait3A_341 : memref<1x!tpu.dma_semaphore, #tpu.memory_space<semaphore_mem>> -> memref<!tpu.dma_semaphore, #tpu.memory_space<semaphore_mem>>
        %dma_wait3A_343 = arith.constant 0 : i32
        %dma_wait3A_344 = arith.constant 0 : i32
        %dma_wait3A_345 = tpu.memref_slice %arg4[%add3A_330, %dma_wait3A_343, %dma_wait3A_344] : memref<1024x200x128xf32, #tpu.memory_space<hbm>> -> memref<1x200x128xf32, #tpu.memory_space<hbm>>
        %dma_wait3A_346 = tpu.memref_squeeze %dma_wait3A_345 : memref<1x200x128xf32, #tpu.memory_space<hbm>> -> memref<200x128xf32, #tpu.memory_space<hbm>>
        %dma_wait3A_347 = arith.constant 0 : i32
        %dma_wait3A_348 = arith.constant 0 : i32
        %dma_wait3A_349 = tpu.memref_slice %arg6[%dma_wait3A_331, %dma_wait3A_347, %dma_wait3A_348] : memref<4x200x128xf32, #tpu.memory_space<vmem>> -> memref<1x200x128xf32, #tpu.memory_space<vmem>>
        %dma_wait3A_350 = tpu.memref_squeeze %dma_wait3A_349 : memref<1x200x128xf32, #tpu.memory_space<vmem>> -> memref<200x128xf32, #tpu.memory_space<vmem>>
        tpu.wait_dma2 semaphore(%dma_wait3A_342 : memref<!tpu.dma_semaphore, #tpu.memory_space<semaphore_mem>>) src(%dma_wait3A_350 : memref<200x128xf32, #tpu.memory_space<vmem>>) dst(%dma_wait3A_346 : memref<200x128xf32, #tpu.memory_space<hbm>>)
        %add3A_351 = arith.constant 4 : i32
        %add3A_352 = arith.addi %add3A_241, %add3A_351 : i32
        %mul3A_353 = arith.constant 200 : i32
        %mul3A_354 = arith.muli %add3A_352, %mul3A_353 : i32
        %dma_start3A_355 = arith.constant 2 : i32
        %dma_start3A_356 = arith.constant 2 : i32
        %dma_start3A_357 = arith.constant 0 : i32
        %dma_start3A_358 = arith.constant 0 : i32
        %dma_start3A_359 = tpu.memref_slice %arg6[%dma_start3A_355, %dma_start3A_357, %dma_start3A_358] : memref<4x200x128xf32, #tpu.memory_space<vmem>> -> memref<1x200x128xf32, #tpu.memory_space<vmem>>
        %dma_start3A_360 = tpu.memref_squeeze %dma_start3A_359 : memref<1x200x128xf32, #tpu.memory_space<vmem>> -> memref<200x128xf32, #tpu.memory_space<vmem>>
        %dma_start3A_361 = tpu.memref_slice %arg5[%mul3A_354] : memref<6400xi32, #tpu.memory_space<vmem>> -> memref<200xi32, #tpu.memory_space<vmem>>
        %dma_start3A_362 = arith.constant 0 : i32
        %dma_start3A_363 = arith.constant 0 : i32
        %dma_start3A_364 = tpu.memref_slice %arg3[%dma_start3A_362, %dma_start3A_363] : memref<1000001x128xf32, #tpu.memory_space<hbm>> -> memref<1000001x128xf32, #tpu.memory_space<hbm>>
        %dma_start3A_365 = tpu.memref_slice %arg7[%dma_start3A_356] : memref<4x!tpu.dma_semaphore, #tpu.memory_space<semaphore_mem>> -> memref<1x!tpu.dma_semaphore, #tpu.memory_space<semaphore_mem>>
        %dma_start3A_366 = tpu.memref_squeeze %dma_start3A_365 : memref<1x!tpu.dma_semaphore, #tpu.memory_space<semaphore_mem>> -> memref<!tpu.dma_semaphore, #tpu.memory_space<semaphore_mem>>
        tpu.enqueue_indirect_dma source(%dma_start3A_364 : memref<1000001x128xf32, #tpu.memory_space<hbm>>) target(%dma_start3A_360 : memref<200x128xf32, #tpu.memory_space<vmem>>) offsets(%dma_start3A_361 : memref<200xi32, #tpu.memory_space<vmem>>) semaphore(%dma_start3A_366 : memref<!tpu.dma_semaphore, #tpu.memory_space<semaphore_mem>>)
      } else {
      }
      %mul3A_284 = arith.constant 4 : i32
      %mul3A_285 = arith.muli %scan3A_148, %mul3A_284 : i32
      %add3A_286 = arith.constant 3 : i32
      %add3A_287 = arith.addi %mul3A_285, %add3A_286 : i32
      %mul3A_288 = arith.constant 200 : i32
      %mul3A_289 = arith.muli %add3A_287, %mul3A_288 : i32
      %dma_wait3A_290 = arith.constant 3 : i32
      %dma_wait3A_291 = arith.constant 3 : i32
      %dma_wait3A_292 = arith.constant 0 : i32
      %dma_wait3A_293 = arith.constant 0 : i32
      %dma_wait3A_294 = tpu.memref_slice %arg6[%dma_wait3A_290, %dma_wait3A_292, %dma_wait3A_293] : memref<4x200x128xf32, #tpu.memory_space<vmem>> -> memref<1x200x128xf32, #tpu.memory_space<vmem>>
      %dma_wait3A_295 = tpu.memref_squeeze %dma_wait3A_294 : memref<1x200x128xf32, #tpu.memory_space<vmem>> -> memref<200x128xf32, #tpu.memory_space<vmem>>
      %dma_wait3A_296 = tpu.memref_slice %arg5[%mul3A_289] : memref<6400xi32, #tpu.memory_space<vmem>> -> memref<200xi32, #tpu.memory_space<vmem>>
      %dma_wait3A_297 = arith.constant 0 : i32
      %dma_wait3A_298 = arith.constant 0 : i32
      %dma_wait3A_299 = tpu.memref_slice %arg3[%dma_wait3A_297, %dma_wait3A_298] : memref<1000001x128xf32, #tpu.memory_space<hbm>> -> memref<1000001x128xf32, #tpu.memory_space<hbm>>
      %dma_wait3A_300 = tpu.memref_slice %arg7[%dma_wait3A_291] : memref<4x!tpu.dma_semaphore, #tpu.memory_space<semaphore_mem>> -> memref<1x!tpu.dma_semaphore, #tpu.memory_space<semaphore_mem>>
      %dma_wait3A_301 = tpu.memref_squeeze %dma_wait3A_300 : memref<1x!tpu.dma_semaphore, #tpu.memory_space<semaphore_mem>> -> memref<!tpu.dma_semaphore, #tpu.memory_space<semaphore_mem>>
      tpu.wait_indirect_dma semaphore(%dma_wait3A_301 : memref<!tpu.dma_semaphore, #tpu.memory_space<semaphore_mem>>) src(%dma_wait3A_299 : memref<1000001x128xf32, #tpu.memory_space<hbm>>) dst(%dma_wait3A_295 : memref<200x128xf32, #tpu.memory_space<vmem>>)
      %add3A_302 = arith.addi %mul3A_2, %add3A_287 : i32
      %dma_start3A_303 = arith.constant 3 : i32
      %dma_start3A_304 = arith.constant 3 : i32
      %dma_start3A_305 = arith.constant 0 : i32
      %dma_start3A_306 = arith.constant 0 : i32
      %dma_start3A_307 = tpu.memref_slice %arg6[%dma_start3A_303, %dma_start3A_305, %dma_start3A_306] : memref<4x200x128xf32, #tpu.memory_space<vmem>> -> memref<1x200x128xf32, #tpu.memory_space<vmem>>
      %dma_start3A_308 = tpu.memref_squeeze %dma_start3A_307 : memref<1x200x128xf32, #tpu.memory_space<vmem>> -> memref<200x128xf32, #tpu.memory_space<vmem>>
      %dma_start3A_309 = arith.constant 0 : i32
      %dma_start3A_310 = arith.constant 0 : i32
      %dma_start3A_311 = tpu.memref_slice %arg4[%add3A_302, %dma_start3A_309, %dma_start3A_310] : memref<1024x200x128xf32, #tpu.memory_space<hbm>> -> memref<1x200x128xf32, #tpu.memory_space<hbm>>
      %dma_start3A_312 = tpu.memref_squeeze %dma_start3A_311 : memref<1x200x128xf32, #tpu.memory_space<hbm>> -> memref<200x128xf32, #tpu.memory_space<hbm>>
      %dma_start3A_313 = tpu.memref_slice %arg8[%dma_start3A_304] : memref<4x!tpu.dma_semaphore, #tpu.memory_space<semaphore_mem>> -> memref<1x!tpu.dma_semaphore, #tpu.memory_space<semaphore_mem>>
      %dma_start3A_314 = tpu.memref_squeeze %dma_start3A_313 : memref<1x!tpu.dma_semaphore, #tpu.memory_space<semaphore_mem>> -> memref<!tpu.dma_semaphore, #tpu.memory_space<semaphore_mem>>
      %dma_start3A_315 = arith.constant 0 : i32
      %dma_start3A_316 = arith.constant 0 : i32
      %dma_start3A_317 = tpu.memref_slice %arg4[%add3A_302, %dma_start3A_315, %dma_start3A_316] : memref<1024x200x128xf32, #tpu.memory_space<hbm>> -> memref<1x200x128xf32, #tpu.memory_space<hbm>>
      %dma_start3A_318 = tpu.memref_squeeze %dma_start3A_317 : memref<1x200x128xf32, #tpu.memory_space<hbm>> -> memref<200x128xf32, #tpu.memory_space<hbm>>
      %dma_start3A_319 = arith.constant 0 : i32
      %dma_start3A_320 = arith.constant 0 : i32
      %dma_start3A_321 = tpu.memref_slice %arg6[%dma_start3A_303, %dma_start3A_319, %dma_start3A_320] : memref<4x200x128xf32, #tpu.memory_space<vmem>> -> memref<1x200x128xf32, #tpu.memory_space<vmem>>
      %dma_start3A_322 = tpu.memref_squeeze %dma_start3A_321 : memref<1x200x128xf32, #tpu.memory_space<vmem>> -> memref<200x128xf32, #tpu.memory_space<vmem>>
      tpu.enqueue_dma source(%dma_start3A_322 : memref<200x128xf32, #tpu.memory_space<vmem>>) target(%dma_start3A_318 : memref<200x128xf32, #tpu.memory_space<hbm>>) target_semaphore(%dma_start3A_314 : memref<!tpu.dma_semaphore, #tpu.memory_space<semaphore_mem>>)
      %add3A_323 = arith.constant 1 : i32
      %add3A_324 = arith.addi %scan3A_148, %add3A_323 : i32
      %lt3A_325 = arith.constant 8 : i32
      %lt3A_326 = arith.cmpi slt, %add3A_324, %lt3A_325 : i32
      %convert_element_type3A_327 = arith.extui %lt3A_326 : i1 to i32
      %cond3A_328 = arith.constant 0 : i32
      %cond3A_329 = arith.cmpi ne, %convert_element_type3A_327, %cond3A_328 : i32
      scf.if %cond3A_329 {
        %add3A_330 = arith.addi %mul3A_2, %add3A_287 : i32
        %dma_wait3A_331 = arith.constant 3 : i32
        %dma_wait3A_332 = arith.constant 3 : i32
        %dma_wait3A_333 = arith.constant 0 : i32
        %dma_wait3A_334 = arith.constant 0 : i32
        %dma_wait3A_335 = tpu.memref_slice %arg6[%dma_wait3A_331, %dma_wait3A_333, %dma_wait3A_334] : memref<4x200x128xf32, #tpu.memory_space<vmem>> -> memref<1x200x128xf32, #tpu.memory_space<vmem>>
        %dma_wait3A_336 = tpu.memref_squeeze %dma_wait3A_335 : memref<1x200x128xf32, #tpu.memory_space<vmem>> -> memref<200x128xf32, #tpu.memory_space<vmem>>
        %dma_wait3A_337 = arith.constant 0 : i32
        %dma_wait3A_338 = arith.constant 0 : i32
        %dma_wait3A_339 = tpu.memref_slice %arg4[%add3A_330, %dma_wait3A_337, %dma_wait3A_338] : memref<1024x200x128xf32, #tpu.memory_space<hbm>> -> memref<1x200x128xf32, #tpu.memory_space<hbm>>
        %dma_wait3A_340 = tpu.memref_squeeze %dma_wait3A_339 : memref<1x200x128xf32, #tpu.memory_space<hbm>> -> memref<200x128xf32, #tpu.memory_space<hbm>>
        %dma_wait3A_341 = tpu.memref_slice %arg8[%dma_wait3A_332] : memref<4x!tpu.dma_semaphore, #tpu.memory_space<semaphore_mem>> -> memref<1x!tpu.dma_semaphore, #tpu.memory_space<semaphore_mem>>
        %dma_wait3A_342 = tpu.memref_squeeze %dma_wait3A_341 : memref<1x!tpu.dma_semaphore, #tpu.memory_space<semaphore_mem>> -> memref<!tpu.dma_semaphore, #tpu.memory_space<semaphore_mem>>
        %dma_wait3A_343 = arith.constant 0 : i32
        %dma_wait3A_344 = arith.constant 0 : i32
        %dma_wait3A_345 = tpu.memref_slice %arg4[%add3A_330, %dma_wait3A_343, %dma_wait3A_344] : memref<1024x200x128xf32, #tpu.memory_space<hbm>> -> memref<1x200x128xf32, #tpu.memory_space<hbm>>
        %dma_wait3A_346 = tpu.memref_squeeze %dma_wait3A_345 : memref<1x200x128xf32, #tpu.memory_space<hbm>> -> memref<200x128xf32, #tpu.memory_space<hbm>>
        %dma_wait3A_347 = arith.constant 0 : i32
        %dma_wait3A_348 = arith.constant 0 : i32
        %dma_wait3A_349 = tpu.memref_slice %arg6[%dma_wait3A_331, %dma_wait3A_347, %dma_wait3A_348] : memref<4x200x128xf32, #tpu.memory_space<vmem>> -> memref<1x200x128xf32, #tpu.memory_space<vmem>>
        %dma_wait3A_350 = tpu.memref_squeeze %dma_wait3A_349 : memref<1x200x128xf32, #tpu.memory_space<vmem>> -> memref<200x128xf32, #tpu.memory_space<vmem>>
        tpu.wait_dma2 semaphore(%dma_wait3A_342 : memref<!tpu.dma_semaphore, #tpu.memory_space<semaphore_mem>>) src(%dma_wait3A_350 : memref<200x128xf32, #tpu.memory_space<vmem>>) dst(%dma_wait3A_346 : memref<200x128xf32, #tpu.memory_space<hbm>>)
        %add3A_351 = arith.constant 4 : i32
        %add3A_352 = arith.addi %add3A_287, %add3A_351 : i32
        %mul3A_353 = arith.constant 200 : i32
        %mul3A_354 = arith.muli %add3A_352, %mul3A_353 : i32
        %dma_start3A_355 = arith.constant 3 : i32
        %dma_start3A_356 = arith.constant 3 : i32
        %dma_start3A_357 = arith.constant 0 : i32
        %dma_start3A_358 = arith.constant 0 : i32
        %dma_start3A_359 = tpu.memref_slice %arg6[%dma_start3A_355, %dma_start3A_357, %dma_start3A_358] : memref<4x200x128xf32, #tpu.memory_space<vmem>> -> memref<1x200x128xf32, #tpu.memory_space<vmem>>
        %dma_start3A_360 = tpu.memref_squeeze %dma_start3A_359 : memref<1x200x128xf32, #tpu.memory_space<vmem>> -> memref<200x128xf32, #tpu.memory_space<vmem>>
        %dma_start3A_361 = tpu.memref_slice %arg5[%mul3A_354] : memref<6400xi32, #tpu.memory_space<vmem>> -> memref<200xi32, #tpu.memory_space<vmem>>
        %dma_start3A_362 = arith.constant 0 : i32
        %dma_start3A_363 = arith.constant 0 : i32
        %dma_start3A_364 = tpu.memref_slice %arg3[%dma_start3A_362, %dma_start3A_363] : memref<1000001x128xf32, #tpu.memory_space<hbm>> -> memref<1000001x128xf32, #tpu.memory_space<hbm>>
        %dma_start3A_365 = tpu.memref_slice %arg7[%dma_start3A_356] : memref<4x!tpu.dma_semaphore, #tpu.memory_space<semaphore_mem>> -> memref<1x!tpu.dma_semaphore, #tpu.memory_space<semaphore_mem>>
        %dma_start3A_366 = tpu.memref_squeeze %dma_start3A_365 : memref<1x!tpu.dma_semaphore, #tpu.memory_space<semaphore_mem>> -> memref<!tpu.dma_semaphore, #tpu.memory_space<semaphore_mem>>
        tpu.enqueue_indirect_dma source(%dma_start3A_364 : memref<1000001x128xf32, #tpu.memory_space<hbm>>) target(%dma_start3A_360 : memref<200x128xf32, #tpu.memory_space<vmem>>) offsets(%dma_start3A_361 : memref<200xi32, #tpu.memory_space<vmem>>) semaphore(%dma_start3A_366 : memref<!tpu.dma_semaphore, #tpu.memory_space<semaphore_mem>>)
      } else {
      }
    }
    %scan3A_60 = arith.constant 8 : i32
    %add3A_61 = arith.constant 28 : i32
    %add3A_62 = arith.addi %mul3A_2, %add3A_61 : i32
    %dma_wait3A = arith.constant 0 : i32
    %dma_wait3A_63 = arith.constant 0 : i32
    %dma_wait3A_64 = arith.constant 0 : i32
    %dma_wait3A_65 = arith.constant 0 : i32
    %dma_wait3A_66 = tpu.memref_slice %arg6[%dma_wait3A, %dma_wait3A_64, %dma_wait3A_65] : memref<4x200x128xf32, #tpu.memory_space<vmem>> -> memref<1x200x128xf32, #tpu.memory_space<vmem>>
    %dma_wait3A_67 = tpu.memref_squeeze %dma_wait3A_66 : memref<1x200x128xf32, #tpu.memory_space<vmem>> -> memref<200x128xf32, #tpu.memory_space<vmem>>
    %dma_wait3A_68 = arith.constant 0 : i32
    %dma_wait3A_69 = arith.constant 0 : i32
    %dma_wait3A_70 = tpu.memref_slice %arg4[%add3A_62, %dma_wait3A_68, %dma_wait3A_69] : memref<1024x200x128xf32, #tpu.memory_space<hbm>> -> memref<1x200x128xf32, #tpu.memory_space<hbm>>
    %dma_wait3A_71 = tpu.memref_squeeze %dma_wait3A_70 : memref<1x200x128xf32, #tpu.memory_space<hbm>> -> memref<200x128xf32, #tpu.memory_space<hbm>>
    %dma_wait3A_72 = tpu.memref_slice %arg8[%dma_wait3A_63] : memref<4x!tpu.dma_semaphore, #tpu.memory_space<semaphore_mem>> -> memref<1x!tpu.dma_semaphore, #tpu.memory_space<semaphore_mem>>
    %dma_wait3A_73 = tpu.memref_squeeze %dma_wait3A_72 : memref<1x!tpu.dma_semaphore, #tpu.memory_space<semaphore_mem>> -> memref<!tpu.dma_semaphore, #tpu.memory_space<semaphore_mem>>
    %dma_wait3A_74 = arith.constant 0 : i32
    %dma_wait3A_75 = arith.constant 0 : i32
    %dma_wait3A_76 = tpu.memref_slice %arg4[%add3A_62, %dma_wait3A_74, %dma_wait3A_75] : memref<1024x200x128xf32, #tpu.memory_space<hbm>> -> memref<1x200x128xf32, #tpu.memory_space<hbm>>
    %dma_wait3A_77 = tpu.memref_squeeze %dma_wait3A_76 : memref<1x200x128xf32, #tpu.memory_space<hbm>> -> memref<200x128xf32, #tpu.memory_space<hbm>>
    %dma_wait3A_78 = arith.constant 0 : i32
    %dma_wait3A_79 = arith.constant 0 : i32
    %dma_wait3A_80 = tpu.memref_slice %arg6[%dma_wait3A, %dma_wait3A_78, %dma_wait3A_79] : memref<4x200x128xf32, #tpu.memory_space<vmem>> -> memref<1x200x128xf32, #tpu.memory_space<vmem>>
    %dma_wait3A_81 = tpu.memref_squeeze %dma_wait3A_80 : memref<1x200x128xf32, #tpu.memory_space<vmem>> -> memref<200x128xf32, #tpu.memory_space<vmem>>
    tpu.wait_dma2 semaphore(%dma_wait3A_73 : memref<!tpu.dma_semaphore, #tpu.memory_space<semaphore_mem>>) src(%dma_wait3A_81 : memref<200x128xf32, #tpu.memory_space<vmem>>) dst(%dma_wait3A_77 : memref<200x128xf32, #tpu.memory_space<hbm>>)
    %add3A_82 = arith.constant 29 : i32
    %add3A_83 = arith.addi %mul3A_2, %add3A_82 : i32
    %dma_wait3A_84 = arith.constant 1 : i32
    %dma_wait3A_85 = arith.constant 1 : i32
    %dma_wait3A_86 = arith.constant 0 : i32
    %dma_wait3A_87 = arith.constant 0 : i32
    %dma_wait3A_88 = tpu.memref_slice %arg6[%dma_wait3A_84, %dma_wait3A_86, %dma_wait3A_87] : memref<4x200x128xf32, #tpu.memory_space<vmem>> -> memref<1x200x128xf32, #tpu.memory_space<vmem>>
    %dma_wait3A_89 = tpu.memref_squeeze %dma_wait3A_88 : memref<1x200x128xf32, #tpu.memory_space<vmem>> -> memref<200x128xf32, #tpu.memory_space<vmem>>
    %dma_wait3A_90 = arith.constant 0 : i32
    %dma_wait3A_91 = arith.constant 0 : i32
    %dma_wait3A_92 = tpu.memref_slice %arg4[%add3A_83, %dma_wait3A_90, %dma_wait3A_91] : memref<1024x200x128xf32, #tpu.memory_space<hbm>> -> memref<1x200x128xf32, #tpu.memory_space<hbm>>
    %dma_wait3A_93 = tpu.memref_squeeze %dma_wait3A_92 : memref<1x200x128xf32, #tpu.memory_space<hbm>> -> memref<200x128xf32, #tpu.memory_space<hbm>>
    %dma_wait3A_94 = tpu.memref_slice %arg8[%dma_wait3A_85] : memref<4x!tpu.dma_semaphore, #tpu.memory_space<semaphore_mem>> -> memref<1x!tpu.dma_semaphore, #tpu.memory_space<semaphore_mem>>
    %dma_wait3A_95 = tpu.memref_squeeze %dma_wait3A_94 : memref<1x!tpu.dma_semaphore, #tpu.memory_space<semaphore_mem>> -> memref<!tpu.dma_semaphore, #tpu.memory_space<semaphore_mem>>
    %dma_wait3A_96 = arith.constant 0 : i32
    %dma_wait3A_97 = arith.constant 0 : i32
    %dma_wait3A_98 = tpu.memref_slice %arg4[%add3A_83, %dma_wait3A_96, %dma_wait3A_97] : memref<1024x200x128xf32, #tpu.memory_space<hbm>> -> memref<1x200x128xf32, #tpu.memory_space<hbm>>
    %dma_wait3A_99 = tpu.memref_squeeze %dma_wait3A_98 : memref<1x200x128xf32, #tpu.memory_space<hbm>> -> memref<200x128xf32, #tpu.memory_space<hbm>>
    %dma_wait3A_100 = arith.constant 0 : i32
    %dma_wait3A_101 = arith.constant 0 : i32
    %dma_wait3A_102 = tpu.memref_slice %arg6[%dma_wait3A_84, %dma_wait3A_100, %dma_wait3A_101] : memref<4x200x128xf32, #tpu.memory_space<vmem>> -> memref<1x200x128xf32, #tpu.memory_space<vmem>>
    %dma_wait3A_103 = tpu.memref_squeeze %dma_wait3A_102 : memref<1x200x128xf32, #tpu.memory_space<vmem>> -> memref<200x128xf32, #tpu.memory_space<vmem>>
    tpu.wait_dma2 semaphore(%dma_wait3A_95 : memref<!tpu.dma_semaphore, #tpu.memory_space<semaphore_mem>>) src(%dma_wait3A_103 : memref<200x128xf32, #tpu.memory_space<vmem>>) dst(%dma_wait3A_99 : memref<200x128xf32, #tpu.memory_space<hbm>>)
    %add3A_104 = arith.constant 30 : i32
    %add3A_105 = arith.addi %mul3A_2, %add3A_104 : i32
    %dma_wait3A_106 = arith.constant 2 : i32
    %dma_wait3A_107 = arith.constant 2 : i32
    %dma_wait3A_108 = arith.constant 0 : i32
    %dma_wait3A_109 = arith.constant 0 : i32
    %dma_wait3A_110 = tpu.memref_slice %arg6[%dma_wait3A_106, %dma_wait3A_108, %dma_wait3A_109] : memref<4x200x128xf32, #tpu.memory_space<vmem>> -> memref<1x200x128xf32, #tpu.memory_space<vmem>>
    %dma_wait3A_111 = tpu.memref_squeeze %dma_wait3A_110 : memref<1x200x128xf32, #tpu.memory_space<vmem>> -> memref<200x128xf32, #tpu.memory_space<vmem>>
    %dma_wait3A_112 = arith.constant 0 : i32
    %dma_wait3A_113 = arith.constant 0 : i32
    %dma_wait3A_114 = tpu.memref_slice %arg4[%add3A_105, %dma_wait3A_112, %dma_wait3A_113] : memref<1024x200x128xf32, #tpu.memory_space<hbm>> -> memref<1x200x128xf32, #tpu.memory_space<hbm>>
    %dma_wait3A_115 = tpu.memref_squeeze %dma_wait3A_114 : memref<1x200x128xf32, #tpu.memory_space<hbm>> -> memref<200x128xf32, #tpu.memory_space<hbm>>
    %dma_wait3A_116 = tpu.memref_slice %arg8[%dma_wait3A_107] : memref<4x!tpu.dma_semaphore, #tpu.memory_space<semaphore_mem>> -> memref<1x!tpu.dma_semaphore, #tpu.memory_space<semaphore_mem>>
    %dma_wait3A_117 = tpu.memref_squeeze %dma_wait3A_116 : memref<1x!tpu.dma_semaphore, #tpu.memory_space<semaphore_mem>> -> memref<!tpu.dma_semaphore, #tpu.memory_space<semaphore_mem>>
    %dma_wait3A_118 = arith.constant 0 : i32
    %dma_wait3A_119 = arith.constant 0 : i32
    %dma_wait3A_120 = tpu.memref_slice %arg4[%add3A_105, %dma_wait3A_118, %dma_wait3A_119] : memref<1024x200x128xf32, #tpu.memory_space<hbm>> -> memref<1x200x128xf32, #tpu.memory_space<hbm>>
    %dma_wait3A_121 = tpu.memref_squeeze %dma_wait3A_120 : memref<1x200x128xf32, #tpu.memory_space<hbm>> -> memref<200x128xf32, #tpu.memory_space<hbm>>
    %dma_wait3A_122 = arith.constant 0 : i32
    %dma_wait3A_123 = arith.constant 0 : i32
    %dma_wait3A_124 = tpu.memref_slice %arg6[%dma_wait3A_106, %dma_wait3A_122, %dma_wait3A_123] : memref<4x200x128xf32, #tpu.memory_space<vmem>> -> memref<1x200x128xf32, #tpu.memory_space<vmem>>
    %dma_wait3A_125 = tpu.memref_squeeze %dma_wait3A_124 : memref<1x200x128xf32, #tpu.memory_space<vmem>> -> memref<200x128xf32, #tpu.memory_space<vmem>>
    tpu.wait_dma2 semaphore(%dma_wait3A_117 : memref<!tpu.dma_semaphore, #tpu.memory_space<semaphore_mem>>) src(%dma_wait3A_125 : memref<200x128xf32, #tpu.memory_space<vmem>>) dst(%dma_wait3A_121 : memref<200x128xf32, #tpu.memory_space<hbm>>)
    %add3A_126 = arith.constant 31 : i32
    %add3A_127 = arith.addi %mul3A_2, %add3A_126 : i32
    %dma_wait3A_128 = arith.constant 3 : i32
    %dma_wait3A_129 = arith.constant 3 : i32
    %dma_wait3A_130 = arith.constant 0 : i32
    %dma_wait3A_131 = arith.constant 0 : i32
    %dma_wait3A_132 = tpu.memref_slice %arg6[%dma_wait3A_128, %dma_wait3A_130, %dma_wait3A_131] : memref<4x200x128xf32, #tpu.memory_space<vmem>> -> memref<1x200x128xf32, #tpu.memory_space<vmem>>
    %dma_wait3A_133 = tpu.memref_squeeze %dma_wait3A_132 : memref<1x200x128xf32, #tpu.memory_space<vmem>> -> memref<200x128xf32, #tpu.memory_space<vmem>>
    %dma_wait3A_134 = arith.constant 0 : i32
    %dma_wait3A_135 = arith.constant 0 : i32
    %dma_wait3A_136 = tpu.memref_slice %arg4[%add3A_127, %dma_wait3A_134, %dma_wait3A_135] : memref<1024x200x128xf32, #tpu.memory_space<hbm>> -> memref<1x200x128xf32, #tpu.memory_space<hbm>>
    %dma_wait3A_137 = tpu.memref_squeeze %dma_wait3A_136 : memref<1x200x128xf32, #tpu.memory_space<hbm>> -> memref<200x128xf32, #tpu.memory_space<hbm>>
    %dma_wait3A_138 = tpu.memref_slice %arg8[%dma_wait3A_129] : memref<4x!tpu.dma_semaphore, #tpu.memory_space<semaphore_mem>> -> memref<1x!tpu.dma_semaphore, #tpu.memory_space<semaphore_mem>>
    %dma_wait3A_139 = tpu.memref_squeeze %dma_wait3A_138 : memref<1x!tpu.dma_semaphore, #tpu.memory_space<semaphore_mem>> -> memref<!tpu.dma_semaphore, #tpu.memory_space<semaphore_mem>>
    %dma_wait3A_140 = arith.constant 0 : i32
    %dma_wait3A_141 = arith.constant 0 : i32
    %dma_wait3A_142 = tpu.memref_slice %arg4[%add3A_127, %dma_wait3A_140, %dma_wait3A_141] : memref<1024x200x128xf32, #tpu.memory_space<hbm>> -> memref<1x200x128xf32, #tpu.memory_space<hbm>>
    %dma_wait3A_143 = tpu.memref_squeeze %dma_wait3A_142 : memref<1x200x128xf32, #tpu.memory_space<hbm>> -> memref<200x128xf32, #tpu.memory_space<hbm>>
    %dma_wait3A_144 = arith.constant 0 : i32
    %dma_wait3A_145 = arith.constant 0 : i32
    %dma_wait3A_146 = tpu.memref_slice %arg6[%dma_wait3A_128, %dma_wait3A_144, %dma_wait3A_145] : memref<4x200x128xf32, #tpu.memory_space<vmem>> -> memref<1x200x128xf32, #tpu.memory_space<vmem>>
    %dma_wait3A_147 = tpu.memref_squeeze %dma_wait3A_146 : memref<1x200x128xf32, #tpu.memory_space<vmem>> -> memref<200x128xf32, #tpu.memory_space<vmem>>
    tpu.wait_dma2 semaphore(%dma_wait3A_139 : memref<!tpu.dma_semaphore, #tpu.memory_space<semaphore_mem>>) src(%dma_wait3A_147 : memref<200x128xf32, #tpu.memory_space<vmem>>) dst(%dma_wait3A_143 : memref<200x128xf32, #tpu.memory_space<hbm>>)
    return
  }
}

</mosaic_0001>

<sc_bundles>
// kernel: _lookup.3.cloned.1.call-start
scs
__scs_entry_jumppad:
0x0: {  	(pc) =	sbr.rel $0x88, $3  }
0x1: {  	(tag) =	ssettag $0x0;
	lr =	simm.s32 $0x1  }
0x2: {  	[smem:$0x3F9F] =	sst lr;
	_ =	strace $0xD0000000  }
0x3: {  	_ = 	snop  }
0x4: {  	_ = 	snop  }
0x5: {  	_ = 	snop  }
0x6: {  	_ = 	snop  }
0x7: {  	_ = 	snop  }
__scs_overlays_trampoline_lowered:
0x8: {  	[smem:$0x3FAE] =	sst s0  }
0x9: {  	[smem:$0x3FAF] =	sst s1  }
0xa: {  	[smem:$0x3FB0] =	sst s2  }
0xb: {  	[smem:$0x3FB1] =	sst s3  }
0xc: {  	[smem:$0x3FB2] =	sst s4  }
0xd: {  	[smem:$0x3FB3] =	sst s5  }
0xe: {  	[smem:$0x3FB4] =	sst s6  }
0xf: {  	[smem:$0x3FB5] =	sst s7  }
0x10: {  	[smem:$0x3FB6] =	sst s8  }
0x11: {  	[smem:$0x3FB7] =	sst s9;
	s0 =	simm.s32 @!p0 $0x0  }
0x12: {  	s1 =	sld [smem:$0x3F9D];
	s0 =	simm.s32 @p0 $0x1  }
0x13: {  	[smem:$0x3FB8] =	sst s0;
	s0 =	simm.s32 @!p1 $0x0  }
0x14: {  	s2 =	sld [smem:$0x3F9C];
	s0 =	simm.s32 @p1 $0x1  }
0x15: {  	[smem:$0x3FB9] =	sst s0;
	s0 =	simm.s32 @!p2 $0x0  }
0x16: {  	s3 =	sld [smem:$0x3FDB];
	s0 =	simm.s32 @p2 $0x1  }
0x17: {  	s4 =	simm.s32 $0x1BF5;
	[smem:$0x3FBB] =	sst s0  }
0x18: {  	s0 =	sld [smem:$0x3F9E];
	_ =	swait.ge [sflag:s4], $0x0  }
0x19: {  	s7 =	sld [smem:$0x3F9F]  }
0x1a: {  	s8 =	sadd.s32 $0xFFFFE003, lr  }
0x1b: {  	s9 =	sadd.s32 $0xFFFFFEF7, lr;
	s5 =	simm.s32 $0xFFFFFFFF;
	p2 =	slt.u32 s8, $0xFFFFF086  }
0x1c: {  	p1 =	slt.u32 s9, $0xF7A;
	s5 =	simm.s32 @!p2 $0x0  }
0x1d: {  	s5 =	simm.s32 @p1 $0x1;
	p0 =	seq.s32 s7, s2  }
0x1e: {  	s7 =	smul.u32 @!p0 $0xF7A, s2;
	p2 =	seq.s32 @!p0 s5, $0x0  }
0x1f: {  	s9 =	smul.u32 $0xF7A, s1;
	s8 =	simm.s32 @!p0 $0x1BF5;
	p2 =	por !p2, p0  }
0x20: {  	[sflag:s8] =	ssyncset.s32 @!p0 $0xFFFFF086;
	s6 =	sadd.s32 @!p0 s3, s7;
	s7 =	simm.s32 @!p0 $0x108  }
0x21: {  	s3 =	sadd.s32 s3, s9;
	s6 =	sadd.s32 @!p0 $0x88, s6;
	s7 =	simm.s32 @p2 $0x1082  }
0x22: {  	[simem:s7], [sflag:s8] =	dma.local @!p0 [hbm:s6], $0xF7A  }
0x23: {  	s9 =	sor.u32 $0xD0000000, s2;
	s6 =	simm.s32 $0x108;
	_ =	swait.ge @!p0 [sflag:s8], $0x0  }
0x24: {  	s3 =	sadd.s32 $0x88, s3;
	s6 =	simm.s32 @!p1 $0x1082;
	[sflag:s4] =	ssyncset.s32 $0xFFFFF086  }
0x25: {  	[simem:s6], [sflag:s4] =	dma.local [hbm:s3], $0xF7A  }
0x26: {  	[smem:$0x3F9F] =	sst s1;
	(tag) =	ssettag s2;
	_ =	strace s9  }
0x27: {  	s1 =	sld [smem:$0x3FAF]  }
0x28: {  	s2 =	sld [smem:$0x3FB0]  }
0x29: {  	s4 =	sld [smem:$0x3FB2]  }
0x2a: {  	p0 =	seq.s32 s5, $0x0;
	s5 =	sld [smem:$0x3FB3]  }
0x2b: {  	s6 =	sld [smem:$0x3FB4]  }
0x2c: {  	s7 =	sld [smem:$0x3FB5]  }
0x2d: {  	s3 =	simm.s32 $0x108;
	s8 =	sld [smem:$0x3FB6]  }
0x2e: {  	s3 =	simm.s32 @!p0 $0x1082;
	s9 =	sld [smem:$0x3FB7]  }
0x2f: {  	lr =	sadd.s32 s0, s3;
	s0 =	sld [smem:$0x3FAE]  }
0x30: {  	s3 =	sld [smem:$0x3FB1]  }
0x31: {  	[smem:$0x3FBA] =	sst s10  }
0x32: {  	s10 =	sld [smem:$0x3FB8];
	_ =	sdelay $0x3  }
0x33: {  	p0 =	seq.s32 s10, $0x1;
	s10 =	sld [smem:$0x3FBA];
	_ =	sdelay $0x3  }
0x34: {  	[smem:$0x3FBA] =	sst s10  }
0x35: {  	s10 =	sld [smem:$0x3FB9];
	_ =	sdelay $0x3  }
0x36: {  	p1 =	seq.s32 s10, $0x1;
	s10 =	sld [smem:$0x3FBA];
	_ =	sdelay $0x3  }
0x37: {  	[smem:$0x3FBA] =	sst s10  }
0x38: {  	s10 =	sld [smem:$0x3FBB]  }
0x39: {  	_ = 	snop;
	(pc) =	sbr.ind lr, $3  }
0x3a: {  	_ = 	snop  }
0x3b: {  	_ = 	snop  }
0x3c: {  	p2 =	seq.s32 s10, $0x1;
	s10 =	sld [smem:$0x3FBA]  }
0x3d: {  	_ =	shalt  }
0x3e: {  	_ =	shalt  }
0x3f: {  	_ =	shalt  }
0x40: {  	_ =	shalt  }
0x41: {  	_ =	shalt  }
0x42: {  	_ =	shalt  }
0x43: {  	_ =	shalt  }
0x44: {  	_ =	shalt  }
0x45: {  	_ =	shalt  }
0x46: {  	_ =	shalt  }
0x47: {  	_ =	shalt  }
0x48: {  	_ =	shalt  }
0x49: {  	_ =	shalt  }
0x4a: {  	_ =	shalt  }
0x4b: {  	_ =	shalt  }
0x4c: {  	_ =	shalt  }
0x4d: {  	_ =	shalt  }
0x4e: {  	_ =	shalt  }
0x4f: {  	_ =	shalt  }
0x50: {  	_ =	shalt  }
0x51: {  	_ =	shalt  }
0x52: {  	_ =	shalt  }
0x53: {  	_ =	shalt  }
0x54: {  	_ =	shalt  }
0x55: {  	_ =	shalt  }
0x56: {  	_ =	shalt  }
0x57: {  	_ =	shalt  }
0x58: {  	_ =	shalt  }
0x59: {  	_ =	shalt  }
0x5a: {  	_ =	shalt  }
0x5b: {  	_ =	shalt  }
0x5c: {  	_ =	shalt  }
0x5d: {  	_ =	shalt  }
0x5e: {  	_ =	shalt  }
0x5f: {  	_ =	shalt  }
0x60: {  	_ =	shalt  }
0x61: {  	_ =	shalt  }
0x62: {  	_ =	shalt  }
0x63: {  	_ =	shalt  }
0x64: {  	_ =	shalt  }
0x65: {  	_ =	shalt  }
0x66: {  	_ =	shalt  }
0x67: {  	_ =	shalt  }
0x68: {  	_ =	shalt  }
0x69: {  	_ =	shalt  }
0x6a: {  	_ =	shalt  }
0x6b: {  	_ =	shalt  }
0x6c: {  	_ =	shalt  }
0x6d: {  	_ =	shalt  }
0x6e: {  	_ =	shalt  }
0x6f: {  	_ =	shalt  }
0x70: {  	_ =	shalt  }
0x71: {  	_ =	shalt  }
0x72: {  	_ =	shalt  }
0x73: {  	_ =	shalt  }
0x74: {  	_ =	shalt  }
0x75: {  	_ =	shalt  }
0x76: {  	_ =	shalt  }
0x77: {  	_ =	shalt  }
0x78: {  	_ =	shalt  }
0x79: {  	_ =	shalt  }
0x7a: {  	_ =	shalt  }
0x7b: {  	_ =	shalt  }
0x7c: {  	_ =	shalt  }
0x7d: {  	_ =	shalt  }
0x7e: {  	_ =	shalt  }
0x7f: {  	_ =	shalt  }
0x80: {  	_ =	shalt  }
0x81: {  	_ =	shalt  }
0x82: {  	_ =	shalt  }
0x83: {  	_ =	shalt  }
0x84: {  	_ =	shalt  }
0x85: {  	_ =	shalt  }
0x86: {  	_ =	shalt  }
0x87: {  	_ =	shalt  }
.Lfunc_end0:
.L_simem_size_0:
called_computation_lowered:
.L_overlay_start_0:
0x88: {  	s2 =	sld [smem:$0x3FD9]  }
0x89: {  	s3 =	sld [smem:$0x3FFE];
	_ =	sdelay $0x1  }
0x8a: {  	s1 =	srdreg.scid  }
0x8b: {  	s0 =	sand.u32 $0x1, s1  }
0x8c: {  	s18 =	sshll.u32 s0, $0xA;
	s2 =	sadd.s32 s3, s2  }
0x8d: {  	s2 =	sadd.s32 s2, s18  }
0x8e: {  	[smem:$0x3FC6] =	sst s2  }
0x8f: {  	_ = 	snop  }
0x90: {  	s2 =	sld [smem:$0x3FC9]  }
0x91: {  	s19 =	sld [smem:$0x3FC8]  }
0x92: {  	s4 =	sld [smem:$0x3FD0];
	(tm) =	ssettm $0x1  }
0x93: {  	s5 =	sld [smem:$0x3FFB];
	_ =	sdelay $0x3  }
0x94: {  	_ =	strace s5  }
0x95: {  	s5 =	sld [smem:$0x3FFC];
	_ =	sdelay $0x3  }
0x96: {  	_ =	strace s5  }
0x97: {  	s5 =	sld [smem:$0x3FFD];
	_ =	sdelay $0x3  }
0x98: {  	_ =	strace s5  }
0x99: {  	_ =	strace $0x8FFFFFFF  }
0x9a: {  	s20 =	sld [smem:$0x3FDB];
	_ =	sdelay $0x1  }
0x9b: {  	s6 =	simm.s32 $_scs_section_size  }
0x9c: {  	s7 =	simm.s32 $_size__tile_overlayer_lowered;
	s8 =	simm.s32 $_tile_overlayer_lowered  }
0x9d: {  	s23 =	simm.s32 $0x1BFF;
	s22 =	sshll.u32 s8, $0x1;
	s5 =	sadd.s32 s6, s20  }
0x9e: {  	s9 =	simm.s32 $0x0;
	s21 =	sshll.u32 s7, $0x1;
	s7 =	sadd.s32 s22, s5  }
0x9f: {  	[timem:s9], [sflag:s23] =	dma.local [hbm:s7], s21  }
0xa0: {  	_ =	swait.ge [sflag:s23], s21  }
0xa1: {  	s6 =	ssub.s32 $0x0, s21;
	[sflag:s23] =	ssyncset.done $0x0  }
0xa2: {  	[sflag:s23] =	ssyncadd.s32 s6;
	_ =	sdelay $0x1  }
0xa3: {  	s24 =	simm.s32 $0x1B8B  }
0xa4: {  	_ =	swait.ge [sflag:s24], $0x1  }
0xa5: {  	[sflag:s24] =	ssyncset.done $0x0  }
0xa6: {  	s25 =	simm.s32 $0x1B8E;
	[sflag:s24] =	ssyncadd.s32 $0xFFFFFFFF  }
0xa7: {  	s26 =	simm.s32 $execute0_lowered;
	[smem:$0x3FD2] =	sst s25  }
0xa8: {  	s6 =	sshll.u32 s26, $0x1;
	_ =	strace $0x80000046;
	[dreg:$0x1] =	wrdreg $0xFFFFFFFF  }
0xa9: {  	s28 =	simm.s32 $_size_execute0_lowered;
	s5 =	sadd.s32 s5, s6;
	[dreg:$0x0] =	wrdreg $0x0  }
0xaa: {  	s6 =	sshll.u32 s28, $0x1;
	[dreg:$0x2] =	wrdreg s5  }
0xab: {  	[dreg:$0x3] =	wrdreg s6  }
0xac: {  	[dreg:$0x4] =	wrdreg $0xC0  }
0xad: {  	_ =	task [dreg:s9], $0x5FFFF  }
0xae: {  	[dreg:$0x1] =	wrdreg $0xFFFFFFFF  }
0xaf: {  	[dreg:$0x0] =	wrdreg $0x60  }
0xb0: {  	[dreg:$0x2] =	wrdreg s2  }
0xb1: {  	[dreg:$0x3] =	wrdreg s19  }
0xb2: {  	[dreg:$0x4] =	wrdreg s4  }
0xb3: {  	[dreg:$0x5] =	wrdreg $0x9  }
0xb4: {  	_ =	task.clear_ibuf [dreg:s9], $0x6FFFF;
	_ =	strace $0x90000046  }
0xb5: {  	s29 =	simm.s32 $0x9;
	_ =	strace $0x80000048  }
0xb6: {  	_ =	swait.ge [sflag:s29], $0x1  }
0xb7: {  	[sflag:s29] =	ssyncadd.s32 $0xFFFFFFFF  }
0xb8: {  	_ =	strace $0x90000048  }
0xb9: {  	_ =	sfence  }
0xba: {  	s30 =	sld [smem:$0x0];
	_ =	sdelay $0x2  }
0xbb: {  	s31 =	sshll.u32 s1, $0xD;
	s1 =	sshrl.u32 s1, $0x2  }
0xbc: {  	s3 =	sand.u32 $0x4000, s31;
	s1 =	sadd.s32 s1, s30  }
0xbd: {  	s0 =	sor.u32 s3, s0;
	s1 =	sshll.u32 s1, $0x11  }
0xbe: {  	s0 =	sor.u32 s1, s0  }
0xbf: {  	s0 =	sadd.s32 $0x8F2B, s0  }
0xc0: {  	[sflag:s0] =	ssyncadd.remote.s32 $0x1  }
0xc1: {  	_ =	sfence.sel $0xFFFF  }
0xc2: {  	[dreg:$0x0] =	wrdreg $0xFFFFFFFF;
	(pc) =	sbr.abs _section_cstart, $3  }
0xc3: {  	[dreg:$0x1] =	wrdreg $0xFFFFFFFF  }
0xc4: {  	_ =	task.clear_ibuf [dreg:s9], $0x2FFFF;
	_ =	strace $0x9FFFFFFF  }
0xc5: {  	(tm) =	ssettm $0x7FFFFFFF  }
tec
execute0_lowered:
.L_overlay_start_1:
0x0: {  	(tag) =	ssettag $0x1  }
0x1: {  	s4 =	rddreg [dreg:$0x0]  }
0x2: {  	s2 =	rddreg [dreg:$0x1];
	s1 =	srdreg.scid  }
0x3: {  	s0 =	stileid.u32;
	s6 =	rddreg [dreg:$0x2];
	s11 =	simm.s32 $0x190  }
0x4: {  	s12 =	simm.s32 $0xE100;
	s13 =	simm.s32 $0x258;
	s14 =	simm.s32 $0x14500  }
0x5: {  	s15 =	simm.s32 $0x1;
	s16 =	simm.s32 $0x2;
	s17 =	simm.s32 $0x3  }
0x6: {  	s18 =	simm.s32 $0x4;
	s19 =	simm.s32 $0x5;
	s20 =	simm.s32 $0x6  }
0x7: {  	s21 =	simm.s32 $0x7;
	s22 =	simm.s32 $0x8;
	s23 =	simm.s32 $0x0  }
0x8: {  	s5 =	sand.u32 $0x1, s1;
	s3 =	sshll.u32 s0, $0x1;
	s10 =	smul.u32 $0x32000, s0  }
0x9: {  	s1 =	rddreg [dreg:$0x3];
	s7 =	sor.u32 s5, s3;
	s31 =	smul.u32 $0x19000, s5  }
0xa: {  	s3 =	simm.s32 $0x0;
	s8 =	ssub.s32 $0x2, s5;
	s7 =	smul.u32 $0x320, s7  }
0xb: {  	[smem:$0x7FF] =	sst s3;
	s9 =	sshrl.u32 s8, $0x1;
	s6 =	sadd.s32 s10, s6  }
0xc: {  	s10 =	simm.s32 $0x7D00;
	_ =	strace $0x80000047;
	s8 =	ssub.s32 s8, s9  }
0xd: {  	s6 =	sadd.s32 s31, s6;
	s9 =	simm.s32 $0x1900;
	s4 =	sadd.s32 s4, s7  }
0xe: {  	s5 =	smax.u32 s8, $0x1;
	s7 =	simm.s32 $0x9;
	s8 =	simm.s32 $0xC8  }
.LBB2_1:
0xf: {  	[tilespmem:s3], [sflag:$0x9] =	stream.linear.gather [hbm4b:s4+s3], $0x1900, $0x38;
	[tilespmem:$0x1A900] =	vst v63  }
0x10: {  	_ =	swait.ge [sflag:s7], $0x1900  }
0x11: {  	[sflag:s7] =	ssyncset.done $0x0  }
0x12: {  	[sflag:s7] =	ssyncadd.s32 $0xFFFFE700  }
0x13: {  	[tilespmem:s9], [sflag:$0x1] =	stream.indirect.gather [hbm4b:s2+s8], $0x80, s3, s8, $0xb8;
	[tilespmem:$0x1A900] =	vst v63  }
0x14: {  	_ = 	snop  }
0x15: {  	[tilespmem:s10], [sflag:$0x2] =	stream.indirect.gather [hbm4b:s2+s8], $0x80, s8, s8, $0xb8;
	[tilespmem:$0x1A900] =	vst v63  }
0x16: {  	_ = 	snop  }
0x17: {  	[tilespmem:s12], [sflag:$0x3] =	stream.indirect.gather [hbm4b:s2+s8], $0x80, s11, s8, $0xb8;
	[tilespmem:$0x1A900] =	vst v63  }
0x18: {  	s24 =	smov.u32 s6;
	s25 =	simm.s32 $0x0  }
0x19: {  	[tilespmem:s14], [sflag:$0x4] =	stream.indirect.gather [hbm4b:s2+s8], $0x80, s13, s8, $0xb8;
	[tilespmem:$0x1A900] =	vst v63  }
.LBB2_2:
0x1a: {  	_ =	swait.ge [sflag:s15], $0x6400  }
0x1b: {  	p0 =	seq.s32 s25, $0x5780;
	[sflag:s15] =	ssyncset.done $0x0  }
0x1c: {  	s26 =	simm.s32 @!p0 $0x5;
	[sflag:s15] =	ssyncadd.s32 $0xFFFF9C00  }
0x1d: {  	[hbm4b:s24+s3] =	stream.linear.scatter [tilespmem:s9], [sflag:$0x5], $0x6400, $0x38;
	[tilespmem:$0x1A900] =	vst v63  }
0x1e: {  	_ =	swait.ge @!p0 [sflag:s26], $0x6400  }
0x1f: {  	[sflag:s26] =	ssyncset.done @!p0 $0x0  }
0x20: {  	[sflag:s26] =	ssyncadd.s32 @!p0 $0xFFFF9C00;
	s26 =	sshra.s32 @!p0 s25, $0x2  }
0x21: {  	s29 =	simm.s32 @!p0 $0xC8;
	s30 =	simm.s32 @!p0 $0x1900;
	s28 =	sadd.s32 @!p0 $0x320, s26  }
0x22: {  	[tilespmem:s30], [sflag:$0x1] =	stream.indirect.gather @!p0 [hbm4b:s2+s29], $0x80, s28, s29, $0xb8;
	[tilespmem:$0x1A900] =	vst v63  }
0x23: {  	_ =	swait.ge [sflag:s16], $0x6400  }
0x24: {  	[sflag:s16] =	ssyncset.done $0x0  }
0x25: {  	s31 =	sadd.s32 $0xC80, s24;
	s28 =	simm.s32 @!p0 $0x6;
	[sflag:s16] =	ssyncadd.s32 $0xFFFF9C00  }
0x26: {  	[hbm4b:s31+s3] =	stream.linear.scatter [tilespmem:s10], [sflag:$0x6], $0x6400, $0x38;
	[tilespmem:$0x1A900] =	vst v63  }
0x27: {  	_ =	swait.ge @!p0 [sflag:s28], $0x6400  }
0x28: {  	[sflag:s28] =	ssyncset.done @!p0 $0x0  }
0x29: {  	s30 =	simm.s32 @!p0 $0x7D00;
	[sflag:s28] =	ssyncadd.s32 @!p0 $0xFFFF9C00;
	s28 =	sadd.s32 @!p0 $0x3E8, s26  }
0x2a: {  	[tilespmem:s30], [sflag:$0x2] =	stream.indirect.gather @!p0 [hbm4b:s2+s29], $0x80, s28, s29, $0xb8;
	[tilespmem:$0x1A900] =	vst v63  }
0x2b: {  	_ =	swait.ge [sflag:s17], $0x6400  }
0x2c: {  	[sflag:s17] =	ssyncset.done $0x0  }
0x2d: {  	s30 =	sadd.s32 $0x1900, s24;
	s28 =	simm.s32 @!p0 $0x7;
	[sflag:s17] =	ssyncadd.s32 $0xFFFF9C00  }
0x2e: {  	[hbm4b:s30+s3] =	stream.linear.scatter [tilespmem:s12], [sflag:$0x7], $0x6400, $0x38;
	[tilespmem:$0x1A900] =	vst v63  }
0x2f: {  	_ =	swait.ge @!p0 [sflag:s28], $0x6400  }
0x30: {  	[sflag:s28] =	ssyncset.done @!p0 $0x0  }
0x31: {  	s30 =	simm.s32 @!p0 $0xE100;
	[sflag:s28] =	ssyncadd.s32 @!p0 $0xFFFF9C00;
	s28 =	sadd.s32 @!p0 $0x4B0, s26  }
0x32: {  	[tilespmem:s30], [sflag:$0x3] =	stream.indirect.gather @!p0 [hbm4b:s2+s29], $0x80, s28, s29, $0xb8;
	[tilespmem:$0x1A900] =	vst v63  }
0x33: {  	s25 =	sadd.s32 @!p0 $0xC80, s25;
	_ =	swait.ge [sflag:s18], $0x6400  }
0x34: {  	p1 =	sne.s32 @!p0 s25, $0x6400;
	[sflag:s18] =	ssyncset.done $0x0  }
0x35: {  	p1 =	por p0, !p1;
	s31 =	sadd.s32 $0x2580, s24;
	[sflag:s18] =	ssyncadd.s32 $0xFFFF9C00  }
0x36: {  	[hbm4b:s31+s3] =	stream.linear.scatter [tilespmem:s14], [sflag:$0x8], $0x6400, $0x38;
	[tilespmem:$0x1A900] =	vst v63  }
.Ltmp0:
0x37: {  	s28 =	simm.s32 @!p0 $0x8;
	(pc) =	sbr.rel @!p1 .LBB2_2-.Ltmp0, $4  }
0x38: {  	_ =	swait.ge @!p0 [sflag:s28], $0x6400  }
0x39: {  	s24 =	sadd.s32 @!p0 $0x3200, s24;
	[sflag:s28] =	ssyncset.done @!p0 $0x0  }
0x3a: {  	s26 =	sadd.s32 @!p0 $0x578, s26;
	[sflag:s28] =	ssyncadd.s32 @!p0 $0xFFFF9C00;
	s28 =	simm.s32 @!p0 $0x14500  }
0x3b: {  	[tilespmem:s28], [sflag:$0x4] =	stream.indirect.gather @!p0 [hbm4b:s2+s29], $0x80, s26, s29, $0xb8;
	[tilespmem:$0x1A900] =	vst v63  }
0x3c: {  	_ =	swait.ge [sflag:s19], $0x6400  }
0x3d: {  	[sflag:s19] =	ssyncset.done $0x0  }
0x3e: {  	[sflag:s19] =	ssyncadd.s32 $0xFFFF9C00  }
0x3f: {  	_ =	swait.ge [sflag:s20], $0x6400  }
0x40: {  	[sflag:s20] =	ssyncset.done $0x0  }
0x41: {  	s23 =	sadd.s32 $0x1, s23;
	[sflag:s20] =	ssyncadd.s32 $0xFFFF9C00  }
0x42: {  	p0 =	sne.s32 s23, s5;
	_ =	swait.ge [sflag:s21], $0x6400  }
.Ltmp1:
0x43: {  	[sflag:s21] =	ssyncset.done $0x0;
	(pc) =	sbr.rel @p0 .LBB2_1-.Ltmp1, $4  }
0x44: {  	[sflag:s21] =	ssyncadd.s32 $0xFFFF9C00  }
0x45: {  	_ =	swait.ge [sflag:s22], $0x6400  }
0x46: {  	[sflag:s22] =	ssyncset.done $0x0  }
0x47: {  	[sflag:s22] =	ssyncadd.s32 $0xFFFF9C00  }
0x48: {  	_ =	sfence.sel $0x180000  }
0x49: {  	[bflag:$0x0] =	sbarrier.arrive $0xFFFF  }
0x4a: {  	p0 =	sne.s32 s0, $0x0;
	_ =	strace $0x90000047  }
0x4b: {  	s0 =	sadd.s32 @!p0 $0x100000, s1;
	[bflag:$0x2] =	sbarrier.arrive $0xFFFF  }
0x4c: {  	[sflag:s0] =	ssyncadd.tile.s32 @!p0 $0x1;
	_ =	shalt  }
.Lfunc_end2:
_tile_overlayer_lowered:
.L_overlay_start_2:
0x4d: {  	(tag) =	ssettag $0x2  }
0x4e: {  	s0 =	rddreg [dreg:$0x0];
	s2 =	stileid.u32  }
0x4f: {  	s1 =	rddreg [dreg:$0x1];
	p0 =	sne.s32 s2, $0x0  }
0x50: {  	s3 =	rddreg [dreg:$0x2];
	[bflag:$0x3] =	sbarrier.arrive $0xFFFF;
	s2 =	simm.s32 @!p0 $0x1C09  }
0x51: {  	[timem:s3], [sflag:s2] =	dma.local @!p0 [hbm:s0], s1  }
0x52: {  	s0 =	simm.s32 @!p0 $0x9  }
0x53: {  	_ =	swait.ge @!p0 [sflag:s0], s1  }
0x54: {  	s1 =	ssub.s32 @!p0 $0x0, s1;
	[sflag:s0] =	ssyncset.done @!p0 $0x0  }
0x55: {  	[sflag:s0] =	ssyncadd.s32 @!p0 s1  }
0x56: {  	[bflag:$0x3] =	sbarrier.arrive $0xFFFF  }
0x57: {  	_ =	shalt  }

</sc_bundles>
